<compile_context>
chip_gen: v7x
topology: tpu7x:2x2x1
jax: 0.10.2.dev20260603
libtpu: 0.0.44.dev20260713+nightly
codegen_flags: <defaults>
</compile_context>

<pallas_src>
import functools
import jax
import jax.numpy as jnp
from jax import lax
from jax.experimental import pallas as pl
from jax.experimental.pallas import tpu as pltpu
from jax.experimental.pallas import tpu_sc as plsc

B, L_V, D = 16, 576, 768
TARGET = 172
PIVOTS = 43
TOPK_PER_PIVOT = 3
_HI = jax.lax.Precision.HIGHEST


def _norms_kernel(hid_ref, out_ref):
    x = hid_ref[0]
    out_ref[...] = jnp.sqrt(jnp.sum(x * x, axis=-1)).reshape(1, 1, L_V)


def _pivot_kernel(norms_ref, piv_ref, pivnorm_ref, s0_ref):
    norms = norms_ref[...].reshape(B, L_V)
    iota_l = jax.lax.broadcasted_iota(jnp.int32, (B, L_V), 1)
    iota_p = jax.lax.broadcasted_iota(jnp.int32, (B, PIVOTS), 1)

    def body(i, carry):
        act, piv, pivnorm = carry
        a = act > 0.5
        v = jnp.where(a, norms, -jnp.inf)
        m = jnp.max(v, axis=1, keepdims=True)
        j = jnp.min(jnp.where((v == m) & a, iota_l, L_V), axis=1, keepdims=True)
        piv = jnp.where(iota_p == i, j, piv)
        pivnorm = jnp.where(iota_p == i, m, pivnorm)
        act = jnp.where(iota_l == j, 0.0, act)
        return act, piv, pivnorm

    act0 = jnp.ones((B, L_V), jnp.float32)
    piv0 = jnp.zeros((B, PIVOTS), jnp.int32)
    pn0 = jnp.zeros((B, PIVOTS), jnp.float32)
    act, piv, pivnorm = jax.lax.fori_loop(0, PIVOTS, body, (act0, piv0, pn0))
    piv_ref[...] = piv.reshape(B, PIVOTS, 1)
    pivnorm_ref[...] = pivnorm.reshape(B, PIVOTS, 1)
    s0_ref[...] = (1.0 - act).reshape(B, 1, L_V)


def _cos_kernel(hid_ref, piv_ref, pivnorm_ref, norms_ref, cos_ref):
    hid = hid_ref[0]
    piv = piv_ref[0]
    pivnorm = pivnorm_ref[0]
    norms = norms_ref[0]
    onehot = (piv == jax.lax.broadcasted_iota(jnp.int32, (PIVOTS, L_V), 1))
    pivvecs = jax.lax.dot(onehot.astype(jnp.float32), hid, precision=_HI)
    num = jax.lax.dot_general(pivvecs, hid, (((1,), (1,)), ((), ())),
                              precision=_HI)
    den = jnp.maximum(pivnorm * norms, 1e-8)
    cos_ref[...] = (num / den).reshape(1, PIVOTS, L_V)


def _select_kernel(cos_ref, s0_ref, ridx_ref, gidx_ref):
    sel0 = s0_ref[...].reshape(B, L_V)
    act0 = 1.0 - sel0
    iota_l = jax.lax.broadcasted_iota(jnp.int32, (B, L_V), 1)

    def body(i, carry):
        sel, act = carry
        c = cos_ref[:, pl.ds(i, 1), :].reshape(B, L_V)
        for _ in range(TOPK_PER_PIVOT):
            a = act > 0.5
            v = jnp.where(a, c, jnp.inf)
            m = jnp.min(v, axis=1, keepdims=True)
            j = jnp.min(jnp.where((v == m) & a, iota_l, L_V),
                        axis=1, keepdims=True)
            sel = jnp.where(iota_l == j, 1.0, sel)
            act = jnp.where(iota_l == j, 0.0, act)
        return sel, act

    sel, act = jax.lax.fori_loop(0, PIVOTS, body, (sel0, act0))

    lt = (jax.lax.broadcasted_iota(jnp.int32, (L_V, L_V), 0)
          <= jax.lax.broadcasted_iota(jnp.int32, (L_V, L_V), 1))
    pos_incl = jax.lax.dot(sel.astype(jnp.float32), lt.astype(jnp.float32),
                           precision=_HI)
    iota_k = jax.lax.broadcasted_iota(jnp.int32, (B, TARGET, 1), 1).astype(jnp.float32)
    cmp = (pos_incl.reshape(B, 1, L_V) <= iota_k).astype(jnp.float32)
    ridx = jnp.sum(cmp, axis=2).astype(jnp.int32)
    ridx_ref[...] = ridx.reshape(B, TARGET, 1)
    iota_b = jax.lax.broadcasted_iota(jnp.int32, (B, TARGET), 0)
    gidx_ref[...] = (ridx + L_V * iota_b).reshape(B, TARGET, 1)


_NW = 32
_RPW = 88
_STARTS = tuple(8 * ((B * TARGET // _NW) * w // 8) for w in range(_NW))


@functools.partial(
    pl.kernel,
    mesh=plsc.VectorSubcoreMesh(core_axis_name="c", subcore_axis_name="s"),
    out_type=jax.ShapeDtypeStruct((B * TARGET, D), jnp.float32),
    scratch_types=[
        pltpu.VMEM((_RPW,), jnp.int32),
        pltpu.VMEM((_RPW, D), jnp.float32),
        pltpu.SemaphoreType.DMA,
    ],
)
def _sc_gather(table_hbm, idx_hbm, out_hbm, idx_v, rows_v, sem):
    wid = lax.axis_index("s") * 2 + lax.axis_index("c")
    start = pl.multiple_of(8 * ((B * TARGET // _NW) * wid // 8), 8)
    pltpu.sync_copy(idx_hbm.at[pl.ds(wid * _RPW, _RPW)], idx_v)
    pltpu.async_copy(table_hbm.at[idx_v], rows_v, sem).wait()
    pltpu.sync_copy(rows_v, out_hbm.at[pl.ds(start, _RPW)])


def kernel(hidden_v, posteriors_v):
    del posteriors_v
    f32 = jnp.float32

    norms = pl.pallas_call(
        _norms_kernel,
        grid=(B,),
        in_specs=[pl.BlockSpec((1, L_V, D), lambda b: (b, 0, 0))],
        out_specs=pl.BlockSpec((1, 1, L_V), lambda b: (b, 0, 0)),
        out_shape=jax.ShapeDtypeStruct((B, 1, L_V), f32),
    )(hidden_v)

    piv, pivnorm, s0 = pl.pallas_call(
        _pivot_kernel,
        in_specs=[pl.BlockSpec((B, 1, L_V), lambda: (0, 0, 0))],
        out_specs=[
            pl.BlockSpec((B, PIVOTS, 1), lambda: (0, 0, 0)),
            pl.BlockSpec((B, PIVOTS, 1), lambda: (0, 0, 0)),
            pl.BlockSpec((B, 1, L_V), lambda: (0, 0, 0)),
        ],
        out_shape=[
            jax.ShapeDtypeStruct((B, PIVOTS, 1), jnp.int32),
            jax.ShapeDtypeStruct((B, PIVOTS, 1), f32),
            jax.ShapeDtypeStruct((B, 1, L_V), f32),
        ],
    )(norms)

    cos = pl.pallas_call(
        _cos_kernel,
        grid=(B,),
        in_specs=[
            pl.BlockSpec((1, L_V, D), lambda b: (b, 0, 0)),
            pl.BlockSpec((1, PIVOTS, 1), lambda b: (b, 0, 0)),
            pl.BlockSpec((1, PIVOTS, 1), lambda b: (b, 0, 0)),
            pl.BlockSpec((1, 1, L_V), lambda b: (b, 0, 0)),
        ],
        out_specs=pl.BlockSpec((1, PIVOTS, L_V), lambda b: (b, 0, 0)),
        out_shape=jax.ShapeDtypeStruct((B, PIVOTS, L_V), f32),
    )(hidden_v, piv, pivnorm, norms)

    ridx3, gidx3 = pl.pallas_call(
        _select_kernel,
        in_specs=[
            pl.BlockSpec((B, PIVOTS, L_V), lambda: (0, 0, 0)),
            pl.BlockSpec((B, 1, L_V), lambda: (0, 0, 0)),
        ],
        out_specs=[
            pl.BlockSpec((B, TARGET, 1), lambda: (0, 0, 0)),
            pl.BlockSpec((B, TARGET, 1), lambda: (0, 0, 0)),
        ],
        out_shape=[
            jax.ShapeDtypeStruct((B, TARGET, 1), jnp.int32),
            jax.ShapeDtypeStruct((B, TARGET, 1), jnp.int32),
        ],
    )(cos, s0)

    gidx_flat = gidx3.reshape(B * TARGET)
    take_idx = (jnp.asarray(_STARTS, jnp.int32)[:, None]
                + jnp.arange(_RPW, dtype=jnp.int32)[None, :]).reshape(-1)
    idx1 = jnp.take(gidx_flat, take_idx)
    pruned = _sc_gather(hidden_v.reshape(B * L_V, D),
                        idx1).reshape(B, TARGET, D)

    ridx = ridx3.reshape(B, TARGET).astype(jnp.int64)
    mask = jnp.ones((B, TARGET), dtype=bool)
    return (pruned, ridx, mask)

# --- scband reference (transcript-rebuilt; emitter-appended) ---
"""Pipeline reference for scband-vision-token-pruner-75634374082784 (READ-ONLY COPY).

The authoritative reference and input builder live on the scoring server;
editing this copy changes nothing except your own understanding.
"""

import jax, jax.numpy as jnp
import numpy as np

TAU_REL = 0.1
TARGET_RATIO = 0.3
MIN_RETAIN = 15


def _select_indices(hidden, rel, tau_rel, target_ratio, min_retain):
    B, L_v, D = hidden.shape
    target_num = max(int(L_v * target_ratio), min_retain)
    pivot_num = max(target_num // 4, 1)
    budget = target_num - pivot_num
    topk_per_pivot = max(budget // max(pivot_num, 1), 1)
    idx = jnp.arange(L_v)

    def per_batch(hid_b, rel_b):
        m = rel_b > tau_rel
        n = jnp.sum(m)
        high_sorted = jnp.sort(jnp.where(m, idx, L_v))
        top_sorted = jnp.sort(jnp.argsort(-rel_b, stable=True)[:target_num])
        retained_ab = jnp.where(n < target_num, top_sorted, high_sorted[:target_num])

        valid = idx < n
        tokens = hid_b[jnp.minimum(high_sorted, L_v - 1)]
        norms = jnp.linalg.norm(tokens, axis=-1)
        order = jnp.argsort(-jnp.where(valid, norms, -jnp.inf), stable=True)
        pivot_local = order[:pivot_num]
        s0 = jnp.zeros((L_v,), dtype=bool).at[pivot_local].set(True)
        a0 = valid & ~s0

        def body(i, carry):
            s, a = carry
            p = pivot_local[i]
            p_vec = tokens[p]
            num = jnp.sum(tokens * p_vec, axis=-1)
            den = jnp.maximum(norms * jnp.linalg.norm(p_vec), 1e-8)
            cos = num / den
            bottom = jnp.argsort(jnp.where(a, cos, jnp.inf), stable=True)[:topk_per_pivot]
            return (s.at[bottom].set(True), a.at[bottom].set(False))

        s, _ = jax.lax.fori_loop(0, pivot_num, body, (s0, a0))
        sel_local = jnp.sort(jnp.where(s, idx, L_v))[:target_num]
        retained_c = high_sorted[jnp.minimum(sel_local, L_v - 1)]
        return jnp.where(n > target_num, retained_c, retained_ab)

    ridx = jax.vmap(per_batch)(hidden, rel)
    mask = jnp.ones((B, target_num), dtype=bool)
    return ridx.astype(jnp.int64), mask


def setup_inputs(seed: int = 0):
    key = jax.random.key(seed)
    k1, k2 = jax.random.split(key)
    B, L_v, D, C = 16, 576, 768, 7
    hidden_v = jax.random.normal(k1, (B, L_v, D), dtype=jnp.float32)
    logits = jax.random.normal(k2, (B, L_v, C), dtype=jnp.float32)
    posteriors_v = jax.nn.softmax(logits, axis=-1)
    return {"hidden_v": hidden_v, "posteriors_v": posteriors_v}


def reference(hidden_v, posteriors_v):
    rel = jnp.max(posteriors_v, axis=-1)
    ridx_j, mask_j = _select_indices(hidden_v, rel, TAU_REL, TARGET_RATIO, MIN_RETAIN)
    B = hidden_v.shape[0]
    gathered = hidden_v[jnp.arange(B)[:, None], ridx_j]
    hidden_v_pruned = jnp.where(mask_j[:, :, None], gathered, 0.0)
    return (hidden_v_pruned, ridx_j, mask_j)

if __name__ == "__main__":
    import jax
    _d = setup_inputs()
    print(jax.jit(kernel)(*tuple(_d.values())))

</pallas_src>

<mosaic_0001>
#map = affine_map<(d0, d1) -> (0, 0)>
#map1 = affine_map<(d0, d1) -> (0)>
module attributes {stable_mosaic.version = 14 : i64} {
  func.func @_sc_gather(%arg0: i32, %arg1: i32, %arg2: memref<9216x768xf32, #tpu.memory_space<hbm>>, %arg3: memref<2816xi32, #tpu.memory_space<hbm>>, %arg4: memref<2752x768xf32, #tpu.memory_space<hbm>>, %arg5: memref<88xi32, #tpu.memory_space<vmem>>, %arg6: memref<88x768xf32, #tpu.memory_space<vmem>>, %arg7: memref<!tpu.dma_semaphore, #tpu.memory_space<semaphore_mem>>) attributes {dimension_semantics = [#tpu.dimension_semantics<core_parallel>, #tpu.dimension_semantics<subcore_parallel>], iteration_bounds = array<i64: 2, 16>, scalar_prefetch = 0 : i64, scratch_operands = 3 : i64, tpu.core_type = #tpu.core_type<sc_vector_subcore>, window_params = [{transform_indices = #map}, {transform_indices = #map1}, {transform_indices = #map}]} {
    %mul3A = arith.constant 2 : i32
    %mul3A_0 = arith.muli %arg1, %mul3A : i32
    %add3A = arith.addi %mul3A_0, %arg0 : i32
    %mul3A_1 = arith.constant 86 : i32
    %mul3A_2 = arith.muli %mul3A_1, %add3A : i32
    %jit3A = arith.constant 8 : i32
    %div3A = arith.divsi %mul3A_2, %jit3A : i32
    %sign3A = arith.constant 0 : i32
    %sign3A_3 = arith.cmpi sgt, %mul3A_2, %sign3A : i32
    %sign3A_4 = arith.extui %sign3A_3 : i1 to i32
    %sign3A_5 = arith.constant 0 : i32
    %sign3A_6 = arith.cmpi slt, %mul3A_2, %sign3A_5 : i32
    %sign3A_7 = arith.extui %sign3A_6 : i1 to i32
    %sign3A_8 = arith.subi %sign3A_4, %sign3A_7 : i32
    %sign3A_9 = arith.constant 0 : i32
    %sign3A_10 = arith.cmpi sgt, %jit3A, %sign3A_9 : i32
    %sign3A_11 = arith.extui %sign3A_10 : i1 to i32
    %sign3A_12 = arith.constant 0 : i32
    %sign3A_13 = arith.cmpi slt, %jit3A, %sign3A_12 : i32
    %sign3A_14 = arith.extui %sign3A_13 : i1 to i32
    %sign3A_15 = arith.subi %sign3A_11, %sign3A_14 : i32
    %ne3A = arith.cmpi ne, %sign3A_8, %sign3A_15 : i32
    %rem3A = arith.remsi %mul3A_2, %jit3A : i32
    %ne3A_16 = arith.constant 0 : i32
    %ne3A_17 = arith.cmpi ne, %rem3A, %ne3A_16 : i32
    %and3A = arith.andi %ne3A, %ne3A_17 : i1
    %sub3A = arith.constant 1 : i32
    %sub3A_18 = arith.subi %div3A, %sub3A : i32
    %select_n3A = arith.select %and3A, %sub3A_18, %div3A : i32
    %mul3A_19 = arith.constant 8 : i32
    %mul3A_20 = arith.muli %mul3A_19, %select_n3A : i32
    %multiple_of3A = tpu.assume_multiple %mul3A_20, 8 : i32
    %mul3A_21 = arith.constant 88 : i32
    %mul3A_22 = arith.muli %add3A, %mul3A_21 : i32
    "tpu.region"() ({
      %run_scoped3A = tpu.sem_alloc : memref<!tpu.dma_semaphore, #tpu.memory_space<semaphore_mem>>
      %dma_start3A_27 = tpu.memref_slice %arg3[%mul3A_22] : memref<2816xi32, #tpu.memory_space<hbm>> -> memref<88xi32, #tpu.memory_space<hbm>>
      %dma_start3A_28 = tpu.memref_slice %arg3[%mul3A_22] : memref<2816xi32, #tpu.memory_space<hbm>> -> memref<88xi32, #tpu.memory_space<hbm>>
      tpu.enqueue_dma source(%dma_start3A_28 : memref<88xi32, #tpu.memory_space<hbm>>) target(%arg5 : memref<88xi32, #tpu.memory_space<vmem>>) target_semaphore(%run_scoped3A : memref<!tpu.dma_semaphore, #tpu.memory_space<semaphore_mem>>)
      %dma_wait3A_29 = tpu.memref_slice %arg3[%mul3A_22] : memref<2816xi32, #tpu.memory_space<hbm>> -> memref<88xi32, #tpu.memory_space<hbm>>
      %dma_wait3A_30 = tpu.memref_slice %arg3[%mul3A_22] : memref<2816xi32, #tpu.memory_space<hbm>> -> memref<88xi32, #tpu.memory_space<hbm>>
      tpu.wait_dma2 semaphore(%run_scoped3A : memref<!tpu.dma_semaphore, #tpu.memory_space<semaphore_mem>>) src(%dma_wait3A_30 : memref<88xi32, #tpu.memory_space<hbm>>) dst(%arg5 : memref<88xi32, #tpu.memory_space<vmem>>)
      tpu.yield
    }) : () -> ()
    %dma_start3A = arith.constant 0 : i32
    %dma_start3A_23 = arith.constant 0 : i32
    %dma_start3A_24 = tpu.memref_slice %arg2[%dma_start3A, %dma_start3A_23] : memref<9216x768xf32, #tpu.memory_space<hbm>> -> memref<9216x768xf32, #tpu.memory_space<hbm>>
    tpu.enqueue_indirect_dma source(%dma_start3A_24 : memref<9216x768xf32, #tpu.memory_space<hbm>>) target(%arg6 : memref<88x768xf32, #tpu.memory_space<vmem>>) offsets(%arg5 : memref<88xi32, #tpu.memory_space<vmem>>) semaphore(%arg7 : memref<!tpu.dma_semaphore, #tpu.memory_space<semaphore_mem>>)
    %dma_wait3A = arith.constant 0 : i32
    %dma_wait3A_25 = arith.constant 0 : i32
    %dma_wait3A_26 = tpu.memref_slice %arg2[%dma_wait3A, %dma_wait3A_25] : memref<9216x768xf32, #tpu.memory_space<hbm>> -> memref<9216x768xf32, #tpu.memory_space<hbm>>
    tpu.wait_indirect_dma semaphore(%arg7 : memref<!tpu.dma_semaphore, #tpu.memory_space<semaphore_mem>>) src(%dma_wait3A_26 : memref<9216x768xf32, #tpu.memory_space<hbm>>) dst(%arg6 : memref<88x768xf32, #tpu.memory_space<vmem>>)
    "tpu.region"() ({
      %run_scoped3A = tpu.sem_alloc : memref<!tpu.dma_semaphore, #tpu.memory_space<semaphore_mem>>
      %dma_start3A_27 = arith.constant 0 : i32
      %dma_start3A_28 = tpu.memref_slice %arg4[%multiple_of3A, %dma_start3A_27] : memref<2752x768xf32, #tpu.memory_space<hbm>> -> memref<88x768xf32, #tpu.memory_space<hbm>>
      %dma_start3A_29 = arith.constant 0 : i32
      %dma_start3A_30 = tpu.memref_slice %arg4[%multiple_of3A, %dma_start3A_29] : memref<2752x768xf32, #tpu.memory_space<hbm>> -> memref<88x768xf32, #tpu.memory_space<hbm>>
      tpu.enqueue_dma source(%arg6 : memref<88x768xf32, #tpu.memory_space<vmem>>) target(%dma_start3A_30 : memref<88x768xf32, #tpu.memory_space<hbm>>) target_semaphore(%run_scoped3A : memref<!tpu.dma_semaphore, #tpu.memory_space<semaphore_mem>>)
      %dma_wait3A_31 = arith.constant 0 : i32
      %dma_wait3A_32 = tpu.memref_slice %arg4[%multiple_of3A, %dma_wait3A_31] : memref<2752x768xf32, #tpu.memory_space<hbm>> -> memref<88x768xf32, #tpu.memory_space<hbm>>
      %dma_wait3A_33 = arith.constant 0 : i32
      %dma_wait3A_34 = tpu.memref_slice %arg4[%multiple_of3A, %dma_wait3A_33] : memref<2752x768xf32, #tpu.memory_space<hbm>> -> memref<88x768xf32, #tpu.memory_space<hbm>>
      tpu.wait_dma2 semaphore(%run_scoped3A : memref<!tpu.dma_semaphore, #tpu.memory_space<semaphore_mem>>) src(%arg6 : memref<88x768xf32, #tpu.memory_space<vmem>>) dst(%dma_wait3A_34 : memref<88x768xf32, #tpu.memory_space<hbm>>)
      tpu.yield
    }) : () -> ()
    return
  }
}

module attributes {stable_mosaic.version = 14 : i64} {
  func.func @_norms_kernel(%arg0: i32, %arg1: memref<1x576x768xf32, #tpu.memory_space<vmem>>, %arg2: memref<1x1x576xf32, #tpu.memory_space<vmem>>) attributes {dimension_semantics = [#tpu.dimension_semantics<arbitrary>], iteration_bounds = array<i64: 16>, scalar_prefetch = 0 : i64, scratch_operands = 0 : i64, tpu.core_type = #tpu.core_type<tc>, window_params = [{transform_indices = @transform_0, window_bounds = array<i64: 1, 576, 768>}, {transform_indices = @transform_1, window_bounds = array<i64: 1, 1, 576>}]} {
    %get3A = arith.constant 0 : index
    %get3A_0 = arith.constant 0 : index
    %get3A_1 = arith.constant 0 : index
    %get3A_2 = vector.load %arg1[%get3A, %get3A_0, %get3A_1] : memref<1x576x768xf32, #tpu.memory_space<vmem>>, vector<1x576x768xf32>
    %get3A_3 = vector.shape_cast %get3A_2 : vector<1x576x768xf32> to vector<576x768xf32>
    %mul3A = arith.mulf %get3A_3, %get3A_3 : vector<576x768xf32>
    %reduce_sum3A = arith.constant dense<0.000000e+00> : vector<576xf32>
    %reduce_sum3A_4 = vector.multi_reduction <add>, %mul3A, %reduce_sum3A [1] : vector<576x768xf32> to vector<576xf32>
    %sqrt3A = math.sqrt %reduce_sum3A_4 : vector<576xf32>
    %reshape3A = vector.shape_cast %sqrt3A : vector<576xf32> to vector<1x1x576xf32>
    %swap3A = arith.constant 0 : index
    %swap3A_5 = arith.constant 0 : index
    %swap3A_6 = arith.constant 0 : index
    %swap3A_7 = vector.load %arg2[%swap3A, %swap3A_5, %swap3A_6] : memref<1x1x576xf32, #tpu.memory_space<vmem>>, vector<1x1x576xf32>
    tpu.vector_store %arg2[%swap3A, %swap3A_5, %swap3A_6], %reshape3A {strides = array<i32>} : memref<1x1x576xf32, #tpu.memory_space<vmem>>, vector<1x1x576xf32>,
    return
  }
  func.func @transform_0(%arg0: i32) -> (i32, i32, i32) {
    %c0_i32 = arith.constant 0 : i32
    %c0_i32_0 = arith.constant 0 : i32
    %c0_i32_1 = arith.constant 0 : i32
    return %arg0, %c0_i32, %c0_i32_0 : i32, i32, i32
  }
  func.func @transform_1(%arg0: i32) -> (i32, i32, i32) {
    %c0_i32 = arith.constant 0 : i32
    %c0_i32_0 = arith.constant 0 : i32
    %c0_i32_1 = arith.constant 0 : i32
    return %arg0, %c0_i32, %c0_i32_0 : i32, i32, i32
  }
}

module attributes {stable_mosaic.version = 14 : i64} {
  func.func @_pivot_kernel(%arg0: memref<16x1x576xf32, #tpu.memory_space<vmem>>, %arg1: memref<16x43x1xi32, #tpu.memory_space<vmem>>, %arg2: memref<16x43x1xf32, #tpu.memory_space<vmem>>, %arg3: memref<16x1x576xf32, #tpu.memory_space<vmem>>) attributes {dimension_semantics = [], scalar_prefetch = 0 : i64, scratch_operands = 0 : i64, tpu.core_type = #tpu.core_type<tc>} {
    %get3A = arith.constant 0 : index
    %get3A_0 = arith.constant 0 : index
    %get3A_1 = arith.constant 0 : index
    %get3A_2 = vector.load %arg0[%get3A, %get3A_0, %get3A_1] : memref<16x1x576xf32, #tpu.memory_space<vmem>>, vector<16x1x576xf32>
    %reshape3A = vector.shape_cast %get3A_2 : vector<16x1x576xf32> to vector<16x576xf32>
    %iota3A = tpu.iota {dimensions = array<i32: 1>} : vector<16x576xi32>
    %iota3A_3 = tpu.iota {dimensions = array<i32: 1>} : vector<16x43xi32>
    %broadcast_in_dim3A = arith.constant 1.000000e+00 : f32
    %broadcast_in_dim3A_4 = vector.broadcast %broadcast_in_dim3A : f32 to vector<16x576xf32>
    %broadcast_in_dim3A_5 = arith.constant 0 : i32
    %broadcast_in_dim3A_6 = vector.broadcast %broadcast_in_dim3A_5 : i32 to vector<16x43xi32>
    %broadcast_in_dim3A_7 = arith.constant 0.000000e+00 : f32
    %broadcast_in_dim3A_8 = vector.broadcast %broadcast_in_dim3A_7 : f32 to vector<16x43xf32>
    %scan3A = arith.constant 0 : i32
    %scan3A_9 = arith.constant 43 : i32
    %scan3A_10 = arith.addi %scan3A, %scan3A_9 : i32
    %scan3A_11 = arith.constant 1 : i32
    %scan3A_12:3 = scf.for %scan3A_30 = %scan3A to %scan3A_10 step %scan3A_11 iter_args(%scan3A_31 = %broadcast_in_dim3A_4, %scan3A_32 = %broadcast_in_dim3A_6, %scan3A_33 = %broadcast_in_dim3A_8) -> (vector<16x576xf32>, vector<16x43xi32>, vector<16x43xf32>)  : i32 {
      %gt3A = arith.constant 5.000000e-01 : f32
      %gt3A_34 = vector.broadcast %gt3A : f32 to vector<16x576xf32>
      %gt3A_35 = arith.cmpf ogt, %scan3A_31, %gt3A_34 : vector<16x576xf32>
      %jit3A = arith.constant 0xFF800000 : f32
      %broadcast_in_dim3A_36 = vector.broadcast %jit3A : f32 to vector<16x576xf32>
      %select_n3A = arith.select %gt3A_35, %reshape3A, %broadcast_in_dim3A_36 : vector<16x576xi1>, vector<16x576xf32>
      %reduce_max3A = arith.constant dense<0xFF800000> : vector<16xf32>
      %reduce_max3A_37 = vector.multi_reduction <maximumf>, %select_n3A, %reduce_max3A [1] : vector<16x576xf32> to vector<16xf32>
      %broadcast_in_dim3A_38 = vector.shape_cast %reduce_max3A_37 : vector<16xf32> to vector<16x1xf32>
      %eq3A = vector.broadcast %broadcast_in_dim3A_38 : vector<16x1xf32> to vector<16x576xf32>
      %eq3A_39 = arith.cmpf oeq, %select_n3A, %eq3A : vector<16x576xf32>
      %and3A = arith.andi %eq3A_39, %gt3A_35 : vector<16x576xi1>
      %jit3A_40 = arith.constant 576 : i32
      %broadcast_in_dim3A_41 = vector.broadcast %jit3A_40 : i32 to vector<16x576xi32>
      %select_n3A_42 = arith.select %and3A, %iota3A, %broadcast_in_dim3A_41 : vector<16x576xi1>, vector<16x576xi32>
      %reduce_min3A = arith.constant dense<2147483647> : vector<16xi32>
      %reduce_min3A_43 = vector.multi_reduction <minsi>, %select_n3A_42, %reduce_min3A [1] : vector<16x576xi32> to vector<16xi32>
      %broadcast_in_dim3A_44 = vector.shape_cast %reduce_min3A_43 : vector<16xi32> to vector<16x1xi32>
      %eq3A_45 = vector.broadcast %scan3A_30 : i32 to vector<16x43xi32>
      %eq3A_46 = arith.cmpi eq, %iota3A_3, %eq3A_45 : vector<16x43xi32>
      %broadcast_in_dim3A_47 = vector.shape_cast %broadcast_in_dim3A_44 : vector<16x1xi32> to vector<16x1xi32>
      %broadcast_in_dim3A_48 = vector.broadcast %broadcast_in_dim3A_47 : vector<16x1xi32> to vector<16x43xi32>
      %select_n3A_49 = arith.select %eq3A_46, %broadcast_in_dim3A_48, %scan3A_32 : vector<16x43xi1>, vector<16x43xi32>
      %eq3A_50 = vector.broadcast %scan3A_30 : i32 to vector<16x43xi32>
      %eq3A_51 = arith.cmpi eq, %iota3A_3, %eq3A_50 : vector<16x43xi32>
      %broadcast_in_dim3A_52 = vector.shape_cast %broadcast_in_dim3A_38 : vector<16x1xf32> to vector<16x1xf32>
      %broadcast_in_dim3A_53 = vector.broadcast %broadcast_in_dim3A_52 : vector<16x1xf32> to vector<16x43xf32>
      %select_n3A_54 = arith.select %eq3A_51, %broadcast_in_dim3A_53, %scan3A_33 : vector<16x43xi1>, vector<16x43xf32>
      %eq3A_55 = vector.broadcast %broadcast_in_dim3A_44 : vector<16x1xi32> to vector<16x576xi32>
      %eq3A_56 = arith.cmpi eq, %iota3A, %eq3A_55 : vector<16x576xi32>
      %jit3A_57 = arith.constant 0.000000e+00 : f32
      %broadcast_in_dim3A_58 = vector.broadcast %jit3A_57 : f32 to vector<16x576xf32>
      %select_n3A_59 = arith.select %eq3A_56, %broadcast_in_dim3A_58, %scan3A_31 : vector<16x576xi1>, vector<16x576xf32>
      scf.yield %select_n3A_59, %select_n3A_49, %select_n3A_54 : vector<16x576xf32>, vector<16x43xi32>, vector<16x43xf32>
    }
    %scan3A_13 = arith.constant 43 : i32
    %reshape3A_14 = vector.shape_cast %scan3A_12#1 : vector<16x43xi32> to vector<16x43x1xi32>
    %swap3A = arith.constant 0 : index
    %swap3A_15 = arith.constant 0 : index
    %swap3A_16 = arith.constant 0 : index
    %swap3A_17 = vector.load %arg1[%swap3A, %swap3A_15, %swap3A_16] : memref<16x43x1xi32, #tpu.memory_space<vmem>>, vector<16x43x1xi32>
    tpu.vector_store %arg1[%swap3A, %swap3A_15, %swap3A_16], %reshape3A_14 {strides = array<i32>} : memref<16x43x1xi32, #tpu.memory_space<vmem>>, vector<16x43x1xi32>,
    %reshape3A_18 = vector.shape_cast %scan3A_12#2 : vector<16x43xf32> to vector<16x43x1xf32>
    %swap3A_19 = arith.constant 0 : index
    %swap3A_20 = arith.constant 0 : index
    %swap3A_21 = arith.constant 0 : index
    %swap3A_22 = vector.load %arg2[%swap3A_19, %swap3A_20, %swap3A_21] : memref<16x43x1xf32, #tpu.memory_space<vmem>>, vector<16x43x1xf32>
    tpu.vector_store %arg2[%swap3A_19, %swap3A_20, %swap3A_21], %reshape3A_18 {strides = array<i32>} : memref<16x43x1xf32, #tpu.memory_space<vmem>>, vector<16x43x1xf32>,
    %sub3A = arith.constant 1.000000e+00 : f32
    %sub3A_23 = vector.broadcast %sub3A : f32 to vector<16x576xf32>
    %sub3A_24 = arith.subf %sub3A_23, %scan3A_12#0 : vector<16x576xf32>
    %reshape3A_25 = vector.shape_cast %sub3A_24 : vector<16x576xf32> to vector<16x1x576xf32>
    %swap3A_26 = arith.constant 0 : index
    %swap3A_27 = arith.constant 0 : index
    %swap3A_28 = arith.constant 0 : index
    %swap3A_29 = vector.load %arg3[%swap3A_26, %swap3A_27, %swap3A_28] : memref<16x1x576xf32, #tpu.memory_space<vmem>>, vector<16x1x576xf32>
    tpu.vector_store %arg3[%swap3A_26, %swap3A_27, %swap3A_28], %reshape3A_25 {strides = array<i32>} : memref<16x1x576xf32, #tpu.memory_space<vmem>>, vector<16x1x576xf32>,
    return
  }
}

module attributes {stable_mosaic.version = 14 : i64} {
  func.func @_cos_kernel(%arg0: i32, %arg1: memref<1x576x768xf32, #tpu.memory_space<vmem>>, %arg2: memref<1x43x1xi32, #tpu.memory_space<vmem>>, %arg3: memref<1x43x1xf32, #tpu.memory_space<vmem>>, %arg4: memref<1x1x576xf32, #tpu.memory_space<vmem>>, %arg5: memref<1x43x576xf32, #tpu.memory_space<vmem>>) attributes {dimension_semantics = [#tpu.dimension_semantics<arbitrary>], iteration_bounds = array<i64: 16>, scalar_prefetch = 0 : i64, scratch_operands = 0 : i64, tpu.core_type = #tpu.core_type<tc>, window_params = [{transform_indices = @transform_0, window_bounds = array<i64: 1, 576, 768>}, {transform_indices = @transform_1, window_bounds = array<i64: 1, 43, 1>}, {transform_indices = @transform_2, window_bounds = array<i64: 1, 43, 1>}, {transform_indices = @transform_3, window_bounds = array<i64: 1, 1, 576>}, {transform_indices = @transform_4, window_bounds = array<i64: 1, 43, 576>}]} {
    %get3A = arith.constant 0 : index
    %get3A_0 = arith.constant 0 : index
    %get3A_1 = arith.constant 0 : index
    %get3A_2 = vector.load %arg1[%get3A, %get3A_0, %get3A_1] : memref<1x576x768xf32, #tpu.memory_space<vmem>>, vector<1x576x768xf32>
    %get3A_3 = vector.shape_cast %get3A_2 : vector<1x576x768xf32> to vector<576x768xf32>
    %get3A_4 = arith.constant 0 : index
    %get3A_5 = arith.constant 0 : index
    %get3A_6 = arith.constant 0 : index
    %get3A_7 = vector.load %arg2[%get3A_4, %get3A_5, %get3A_6] : memref<1x43x1xi32, #tpu.memory_space<vmem>>, vector<1x43x1xi32>
    %get3A_8 = vector.shape_cast %get3A_7 : vector<1x43x1xi32> to vector<43x1xi32>
    %get3A_9 = arith.constant 0 : index
    %get3A_10 = arith.constant 0 : index
    %get3A_11 = arith.constant 0 : index
    %get3A_12 = vector.load %arg3[%get3A_9, %get3A_10, %get3A_11] : memref<1x43x1xf32, #tpu.memory_space<vmem>>, vector<1x43x1xf32>
    %get3A_13 = vector.shape_cast %get3A_12 : vector<1x43x1xf32> to vector<43x1xf32>
    %get3A_14 = arith.constant 0 : index
    %get3A_15 = arith.constant 0 : index
    %get3A_16 = arith.constant 0 : index
    %get3A_17 = vector.load %arg4[%get3A_14, %get3A_15, %get3A_16] : memref<1x1x576xf32, #tpu.memory_space<vmem>>, vector<1x1x576xf32>
    %get3A_18 = vector.shape_cast %get3A_17 : vector<1x1x576xf32> to vector<1x576xf32>
    %iota3A = tpu.iota {dimensions = array<i32: 1>} : vector<43x576xi32>
    %eq3A = vector.broadcast %get3A_8 : vector<43x1xi32> to vector<43x576xi32>
    %eq3A_19 = arith.cmpi eq, %eq3A, %iota3A : vector<43x576xi32>
    %convert_element_type3A = arith.extui %eq3A_19 : vector<43x576xi1> to vector<43x576xi32>
    %convert_element_type3A_20 = arith.sitofp %convert_element_type3A : vector<43x576xi32> to vector<43x576xf32>
    %dot_general3A = arith.constant dense<0.000000e+00> : vector<43x768xf32>
    %dot_general3A_21 = tpu.matmul %convert_element_type3A_20, %get3A_3, %dot_general3A {dimension_numbers = #tpu.dot_dimension_numbers<[1], [0], [0], [1], [0, 0, 1, 1], [], []>, precision = #tpu.contract_precision<fp32>, transpose_lhs_hint = false} : vector<43x576xf32>, vector<576x768xf32>, vector<43x768xf32> -> vector<43x768xf32>
    %dot_general3A_22 = arith.constant dense<0.000000e+00> : vector<43x576xf32>
    %dot_general3A_23 = tpu.matmul %dot_general3A_21, %get3A_3, %dot_general3A_22 {dimension_numbers = #tpu.dot_dimension_numbers<[1], [1], [0], [0], [0, 0, 1, 0], [], []>, precision = #tpu.contract_precision<fp32>, transpose_lhs_hint = false} : vector<43x768xf32>, vector<576x768xf32>, vector<43x576xf32> -> vector<43x576xf32>
    %mul3A = vector.broadcast %get3A_13 : vector<43x1xf32> to vector<43x576xf32>
    %mul3A_24 = vector.broadcast %get3A_18 : vector<1x576xf32> to vector<43x576xf32>
    %mul3A_25 = arith.mulf %mul3A, %mul3A_24 : vector<43x576xf32>
    %max3A = arith.constant 9.99999993E-9 : f32
    %max3A_26 = vector.broadcast %max3A : f32 to vector<43x576xf32>
    %max3A_27 = arith.maximumf %mul3A_25, %max3A_26 : vector<43x576xf32>
    %div3A = arith.divf %dot_general3A_23, %max3A_27 : vector<43x576xf32>
    %reshape3A = vector.shape_cast %div3A : vector<43x576xf32> to vector<1x43x576xf32>
    %swap3A = arith.constant 0 : index
    %swap3A_28 = arith.constant 0 : index
    %swap3A_29 = arith.constant 0 : index
    %swap3A_30 = vector.load %arg5[%swap3A, %swap3A_28, %swap3A_29] : memref<1x43x576xf32, #tpu.memory_space<vmem>>, vector<1x43x576xf32>
    tpu.vector_store %arg5[%swap3A, %swap3A_28, %swap3A_29], %reshape3A {strides = array<i32>} : memref<1x43x576xf32, #tpu.memory_space<vmem>>, vector<1x43x576xf32>,
    return
  }
  func.func @transform_0(%arg0: i32) -> (i32, i32, i32) {
    %c0_i32 = arith.constant 0 : i32
    %c0_i32_0 = arith.constant 0 : i32
    %c0_i32_1 = arith.constant 0 : i32
    return %arg0, %c0_i32, %c0_i32_0 : i32, i32, i32
  }
  func.func @transform_1(%arg0: i32) -> (i32, i32, i32) {
    %c0_i32 = arith.constant 0 : i32
    %c0_i32_0 = arith.constant 0 : i32
    %c0_i32_1 = arith.constant 0 : i32
    return %arg0, %c0_i32, %c0_i32_0 : i32, i32, i32
  }
  func.func @transform_2(%arg0: i32) -> (i32, i32, i32) {
    %c0_i32 = arith.constant 0 : i32
    %c0_i32_0 = arith.constant 0 : i32
    %c0_i32_1 = arith.constant 0 : i32
    return %arg0, %c0_i32, %c0_i32_0 : i32, i32, i32
  }
  func.func @transform_3(%arg0: i32) -> (i32, i32, i32) {
    %c0_i32 = arith.constant 0 : i32
    %c0_i32_0 = arith.constant 0 : i32
    %c0_i32_1 = arith.constant 0 : i32
    return %arg0, %c0_i32, %c0_i32_0 : i32, i32, i32
  }
  func.func @transform_4(%arg0: i32) -> (i32, i32, i32) {
    %c0_i32 = arith.constant 0 : i32
    %c0_i32_0 = arith.constant 0 : i32
    %c0_i32_1 = arith.constant 0 : i32
    return %arg0, %c0_i32, %c0_i32_0 : i32, i32, i32
  }
}

module attributes {stable_mosaic.version = 14 : i64} {
  func.func @_select_kernel(%arg0: memref<16x43x576xf32, #tpu.memory_space<vmem>>, %arg1: memref<16x1x576xf32, #tpu.memory_space<vmem>>, %arg2: memref<16x172x1xi32, #tpu.memory_space<vmem>>, %arg3: memref<16x172x1xi32, #tpu.memory_space<vmem>>) attributes {dimension_semantics = [], scalar_prefetch = 0 : i64, scratch_operands = 0 : i64, tpu.core_type = #tpu.core_type<tc>} {
    %get3A = arith.constant 0 : index
    %get3A_0 = arith.constant 0 : index
    %get3A_1 = arith.constant 0 : index
    %get3A_2 = vector.load %arg1[%get3A, %get3A_0, %get3A_1] : memref<16x1x576xf32, #tpu.memory_space<vmem>>, vector<16x1x576xf32>
    %reshape3A = vector.shape_cast %get3A_2 : vector<16x1x576xf32> to vector<16x576xf32>
    %sub3A = arith.constant 1.000000e+00 : f32
    %sub3A_3 = vector.broadcast %sub3A : f32 to vector<16x576xf32>
    %sub3A_4 = arith.subf %sub3A_3, %reshape3A : vector<16x576xf32>
    %iota3A = tpu.iota {dimensions = array<i32: 1>} : vector<16x576xi32>
    %scan3A = arith.constant 0 : i32
    %scan3A_5 = arith.constant 43 : i32
    %scan3A_6 = arith.addi %scan3A, %scan3A_5 : i32
    %scan3A_7 = arith.constant 1 : i32
    %scan3A_8:2 = scf.for %scan3A_36 = %scan3A to %scan3A_6 step %scan3A_7 iter_args(%scan3A_37 = %reshape3A, %scan3A_38 = %sub3A_4) -> (vector<16x576xf32>, vector<16x576xf32>)  : i32 {
      %get3A_39 = arith.constant 0 : index
      %get3A_40 = arith.index_cast %scan3A_36 : i32 to index
      %get3A_41 = arith.constant 0 : index
      %get3A_42 = vector.load %arg0[%get3A_39, %get3A_40, %get3A_41] : memref<16x43x576xf32, #tpu.memory_space<vmem>>, vector<16x1x576xf32>
      %reshape3A_43 = vector.shape_cast %get3A_42 : vector<16x1x576xf32> to vector<16x576xf32>
      %gt3A = arith.constant 5.000000e-01 : f32
      %gt3A_44 = vector.broadcast %gt3A : f32 to vector<16x576xf32>
      %gt3A_45 = arith.cmpf ogt, %scan3A_38, %gt3A_44 : vector<16x576xf32>
      %jit3A = arith.constant 0x7F800000 : f32
      %broadcast_in_dim3A = vector.broadcast %jit3A : f32 to vector<16x576xf32>
      %select_n3A = arith.select %gt3A_45, %reshape3A_43, %broadcast_in_dim3A : vector<16x576xi1>, vector<16x576xf32>
      %reduce_min3A = arith.constant dense<0x7F800000> : vector<16xf32>
      %reduce_min3A_46 = vector.multi_reduction <minimumf>, %select_n3A, %reduce_min3A [1] : vector<16x576xf32> to vector<16xf32>
      %broadcast_in_dim3A_47 = vector.shape_cast %reduce_min3A_46 : vector<16xf32> to vector<16x1xf32>
      %eq3A = vector.broadcast %broadcast_in_dim3A_47 : vector<16x1xf32> to vector<16x576xf32>
      %eq3A_48 = arith.cmpf oeq, %select_n3A, %eq3A : vector<16x576xf32>
      %and3A = arith.andi %eq3A_48, %gt3A_45 : vector<16x576xi1>
      %jit3A_49 = arith.constant 576 : i32
      %broadcast_in_dim3A_50 = vector.broadcast %jit3A_49 : i32 to vector<16x576xi32>
      %select_n3A_51 = arith.select %and3A, %iota3A, %broadcast_in_dim3A_50 : vector<16x576xi1>, vector<16x576xi32>
      %reduce_min3A_52 = arith.constant dense<2147483647> : vector<16xi32>
      %reduce_min3A_53 = vector.multi_reduction <minsi>, %select_n3A_51, %reduce_min3A_52 [1] : vector<16x576xi32> to vector<16xi32>
      %broadcast_in_dim3A_54 = vector.shape_cast %reduce_min3A_53 : vector<16xi32> to vector<16x1xi32>
      %eq3A_55 = vector.broadcast %broadcast_in_dim3A_54 : vector<16x1xi32> to vector<16x576xi32>
      %eq3A_56 = arith.cmpi eq, %iota3A, %eq3A_55 : vector<16x576xi32>
      %jit3A_57 = arith.constant 1.000000e+00 : f32
      %broadcast_in_dim3A_58 = vector.broadcast %jit3A_57 : f32 to vector<16x576xf32>
      %select_n3A_59 = arith.select %eq3A_56, %broadcast_in_dim3A_58, %scan3A_37 : vector<16x576xi1>, vector<16x576xf32>
      %eq3A_60 = vector.broadcast %broadcast_in_dim3A_54 : vector<16x1xi32> to vector<16x576xi32>
      %eq3A_61 = arith.cmpi eq, %iota3A, %eq3A_60 : vector<16x576xi32>
      %jit3A_62 = arith.constant 0.000000e+00 : f32
      %broadcast_in_dim3A_63 = vector.broadcast %jit3A_62 : f32 to vector<16x576xf32>
      %select_n3A_64 = arith.select %eq3A_61, %broadcast_in_dim3A_63, %scan3A_38 : vector<16x576xi1>, vector<16x576xf32>
      %gt3A_65 = arith.constant 5.000000e-01 : f32
      %gt3A_66 = vector.broadcast %gt3A_65 : f32 to vector<16x576xf32>
      %gt3A_67 = arith.cmpf ogt, %select_n3A_64, %gt3A_66 : vector<16x576xf32>
      %jit3A_68 = arith.constant 0x7F800000 : f32
      %broadcast_in_dim3A_69 = vector.broadcast %jit3A_68 : f32 to vector<16x576xf32>
      %select_n3A_70 = arith.select %gt3A_67, %reshape3A_43, %broadcast_in_dim3A_69 : vector<16x576xi1>, vector<16x576xf32>
      %reduce_min3A_71 = arith.constant dense<0x7F800000> : vector<16xf32>
      %reduce_min3A_72 = vector.multi_reduction <minimumf>, %select_n3A_70, %reduce_min3A_71 [1] : vector<16x576xf32> to vector<16xf32>
      %broadcast_in_dim3A_73 = vector.shape_cast %reduce_min3A_72 : vector<16xf32> to vector<16x1xf32>
      %eq3A_74 = vector.broadcast %broadcast_in_dim3A_73 : vector<16x1xf32> to vector<16x576xf32>
      %eq3A_75 = arith.cmpf oeq, %select_n3A_70, %eq3A_74 : vector<16x576xf32>
      %and3A_76 = arith.andi %eq3A_75, %gt3A_67 : vector<16x576xi1>
      %jit3A_77 = arith.constant 576 : i32
      %broadcast_in_dim3A_78 = vector.broadcast %jit3A_77 : i32 to vector<16x576xi32>
      %select_n3A_79 = arith.select %and3A_76, %iota3A, %broadcast_in_dim3A_78 : vector<16x576xi1>, vector<16x576xi32>
      %reduce_min3A_80 = arith.constant dense<2147483647> : vector<16xi32>
      %reduce_min3A_81 = vector.multi_reduction <minsi>, %select_n3A_79, %reduce_min3A_80 [1] : vector<16x576xi32> to vector<16xi32>
      %broadcast_in_dim3A_82 = vector.shape_cast %reduce_min3A_81 : vector<16xi32> to vector<16x1xi32>
      %eq3A_83 = vector.broadcast %broadcast_in_dim3A_82 : vector<16x1xi32> to vector<16x576xi32>
      %eq3A_84 = arith.cmpi eq, %iota3A, %eq3A_83 : vector<16x576xi32>
      %jit3A_85 = arith.constant 1.000000e+00 : f32
      %broadcast_in_dim3A_86 = vector.broadcast %jit3A_85 : f32 to vector<16x576xf32>
      %select_n3A_87 = arith.select %eq3A_84, %broadcast_in_dim3A_86, %select_n3A_59 : vector<16x576xi1>, vector<16x576xf32>
      %eq3A_88 = vector.broadcast %broadcast_in_dim3A_82 : vector<16x1xi32> to vector<16x576xi32>
      %eq3A_89 = arith.cmpi eq, %iota3A, %eq3A_88 : vector<16x576xi32>
      %jit3A_90 = arith.constant 0.000000e+00 : f32
      %broadcast_in_dim3A_91 = vector.broadcast %jit3A_90 : f32 to vector<16x576xf32>
      %select_n3A_92 = arith.select %eq3A_89, %broadcast_in_dim3A_91, %select_n3A_64 : vector<16x576xi1>, vector<16x576xf32>
      %gt3A_93 = arith.constant 5.000000e-01 : f32
      %gt3A_94 = vector.broadcast %gt3A_93 : f32 to vector<16x576xf32>
      %gt3A_95 = arith.cmpf ogt, %select_n3A_92, %gt3A_94 : vector<16x576xf32>
      %jit3A_96 = arith.constant 0x7F800000 : f32
      %broadcast_in_dim3A_97 = vector.broadcast %jit3A_96 : f32 to vector<16x576xf32>
      %select_n3A_98 = arith.select %gt3A_95, %reshape3A_43, %broadcast_in_dim3A_97 : vector<16x576xi1>, vector<16x576xf32>
      %reduce_min3A_99 = arith.constant dense<0x7F800000> : vector<16xf32>
      %reduce_min3A_100 = vector.multi_reduction <minimumf>, %select_n3A_98, %reduce_min3A_99 [1] : vector<16x576xf32> to vector<16xf32>
      %broadcast_in_dim3A_101 = vector.shape_cast %reduce_min3A_100 : vector<16xf32> to vector<16x1xf32>
      %eq3A_102 = vector.broadcast %broadcast_in_dim3A_101 : vector<16x1xf32> to vector<16x576xf32>
      %eq3A_103 = arith.cmpf oeq, %select_n3A_98, %eq3A_102 : vector<16x576xf32>
      %and3A_104 = arith.andi %eq3A_103, %gt3A_95 : vector<16x576xi1>
      %jit3A_105 = arith.constant 576 : i32
      %broadcast_in_dim3A_106 = vector.broadcast %jit3A_105 : i32 to vector<16x576xi32>
      %select_n3A_107 = arith.select %and3A_104, %iota3A, %broadcast_in_dim3A_106 : vector<16x576xi1>, vector<16x576xi32>
      %reduce_min3A_108 = arith.constant dense<2147483647> : vector<16xi32>
      %reduce_min3A_109 = vector.multi_reduction <minsi>, %select_n3A_107, %reduce_min3A_108 [1] : vector<16x576xi32> to vector<16xi32>
      %broadcast_in_dim3A_110 = vector.shape_cast %reduce_min3A_109 : vector<16xi32> to vector<16x1xi32>
      %eq3A_111 = vector.broadcast %broadcast_in_dim3A_110 : vector<16x1xi32> to vector<16x576xi32>
      %eq3A_112 = arith.cmpi eq, %iota3A, %eq3A_111 : vector<16x576xi32>
      %jit3A_113 = arith.constant 1.000000e+00 : f32
      %broadcast_in_dim3A_114 = vector.broadcast %jit3A_113 : f32 to vector<16x576xf32>
      %select_n3A_115 = arith.select %eq3A_112, %broadcast_in_dim3A_114, %select_n3A_87 : vector<16x576xi1>, vector<16x576xf32>
      %eq3A_116 = vector.broadcast %broadcast_in_dim3A_110 : vector<16x1xi32> to vector<16x576xi32>
      %eq3A_117 = arith.cmpi eq, %iota3A, %eq3A_116 : vector<16x576xi32>
      %jit3A_118 = arith.constant 0.000000e+00 : f32
      %broadcast_in_dim3A_119 = vector.broadcast %jit3A_118 : f32 to vector<16x576xf32>
      %select_n3A_120 = arith.select %eq3A_117, %broadcast_in_dim3A_119, %select_n3A_92 : vector<16x576xi1>, vector<16x576xf32>
      scf.yield %select_n3A_115, %select_n3A_120 : vector<16x576xf32>, vector<16x576xf32>
    }
    %scan3A_9 = arith.constant 43 : i32
    %iota3A_10 = tpu.iota {dimensions = array<i32: 0>} : vector<576x576xi32>
    %iota3A_11 = tpu.iota {dimensions = array<i32: 1>} : vector<576x576xi32>
    %le3A = arith.cmpi sle, %iota3A_10, %iota3A_11 : vector<576x576xi32>
    %convert_element_type3A = arith.extui %le3A : vector<576x576xi1> to vector<576x576xi32>
    %convert_element_type3A_12 = arith.sitofp %convert_element_type3A : vector<576x576xi32> to vector<576x576xf32>
    %dot_general3A = arith.constant dense<0.000000e+00> : vector<16x576xf32>
    %dot_general3A_13 = tpu.matmul %scan3A_8#0, %convert_element_type3A_12, %dot_general3A {dimension_numbers = #tpu.dot_dimension_numbers<[1], [0], [0], [1], [0, 0, 1, 1], [], []>, precision = #tpu.contract_precision<fp32>, transpose_lhs_hint = false} : vector<16x576xf32>, vector<576x576xf32>, vector<16x576xf32> -> vector<16x576xf32>
    %iota3A_14 = tpu.iota {dimensions = array<i32: 1>} : vector<16x172x1xi32>
    %convert_element_type3A_15 = arith.sitofp %iota3A_14 : vector<16x172x1xi32> to vector<16x172x1xf32>
    %reshape3A_16 = vector.shape_cast %dot_general3A_13 : vector<16x576xf32> to vector<16x1x576xf32>
    %le3A_17 = vector.broadcast %reshape3A_16 : vector<16x1x576xf32> to vector<16x172x576xf32>
    %le3A_18 = vector.broadcast %convert_element_type3A_15 : vector<16x172x1xf32> to vector<16x172x576xf32>
    %le3A_19 = arith.cmpf ole, %le3A_17, %le3A_18 : vector<16x172x576xf32>
    %convert_element_type3A_20 = arith.extui %le3A_19 : vector<16x172x576xi1> to vector<16x172x576xi32>
    %convert_element_type3A_21 = arith.sitofp %convert_element_type3A_20 : vector<16x172x576xi32> to vector<16x172x576xf32>
    %reduce_sum3A = arith.constant dense<0.000000e+00> : vector<16x172xf32>
    %reduce_sum3A_22 = vector.multi_reduction <add>, %convert_element_type3A_21, %reduce_sum3A [2] : vector<16x172x576xf32> to vector<16x172xf32>
    %convert_element_type3A_23 = arith.fptosi %reduce_sum3A_22 : vector<16x172xf32> to vector<16x172xi32>
    %reshape3A_24 = vector.shape_cast %convert_element_type3A_23 : vector<16x172xi32> to vector<16x172x1xi32>
    %swap3A = arith.constant 0 : index
    %swap3A_25 = arith.constant 0 : index
    %swap3A_26 = arith.constant 0 : index
    %swap3A_27 = vector.load %arg2[%swap3A, %swap3A_25, %swap3A_26] : memref<16x172x1xi32, #tpu.memory_space<vmem>>, vector<16x172x1xi32>
    tpu.vector_store %arg2[%swap3A, %swap3A_25, %swap3A_26], %reshape3A_24 {strides = array<i32>} : memref<16x172x1xi32, #tpu.memory_space<vmem>>, vector<16x172x1xi32>,
    %iota3A_28 = tpu.iota {dimensions = array<i32: 0>} : vector<16x172xi32>
    %mul3A = arith.constant 576 : i32
    %mul3A_29 = vector.broadcast %mul3A : i32 to vector<16x172xi32>
    %mul3A_30 = arith.muli %mul3A_29, %iota3A_28 : vector<16x172xi32>
    %add3A = arith.addi %convert_element_type3A_23, %mul3A_30 : vector<16x172xi32>
    %reshape3A_31 = vector.shape_cast %add3A : vector<16x172xi32> to vector<16x172x1xi32>
    %swap3A_32 = arith.constant 0 : index
    %swap3A_33 = arith.constant 0 : index
    %swap3A_34 = arith.constant 0 : index
    %swap3A_35 = vector.load %arg3[%swap3A_32, %swap3A_33, %swap3A_34] : memref<16x172x1xi32, #tpu.memory_space<vmem>>, vector<16x172x1xi32>
    tpu.vector_store %arg3[%swap3A_32, %swap3A_33, %swap3A_34], %reshape3A_31 {strides = array<i32>} : memref<16x172x1xi32, #tpu.memory_space<vmem>>, vector<16x172x1xi32>,
    return
  }
}

</mosaic_0001>

<sc_bundles>
// kernel: gather_offload_async_start
scs
__scs_entry_jumppad:
0x0: {  	(pc) =	sbr.rel $0x88, $3  }
0x1: {  	(tag) =	ssettag $0x0;
	lr =	simm.s32 $0x1  }
0x2: {  	[smem:$0x3FA0] =	sst lr;
	_ =	strace $0xD0000000  }
0x3: {  	_ = 	snop  }
0x4: {  	_ = 	snop  }
0x5: {  	_ = 	snop  }
0x6: {  	_ = 	snop  }
0x7: {  	_ = 	snop  }
__scs_overlays_trampoline_lowered:
0x8: {  	[smem:$0x3FAF] =	sst s0  }
0x9: {  	[smem:$0x3FB0] =	sst s1  }
0xa: {  	[smem:$0x3FB1] =	sst s2  }
0xb: {  	[smem:$0x3FB2] =	sst s3  }
0xc: {  	[smem:$0x3FB3] =	sst s4  }
0xd: {  	[smem:$0x3FB4] =	sst s5  }
0xe: {  	[smem:$0x3FB5] =	sst s6  }
0xf: {  	[smem:$0x3FB6] =	sst s7  }
0x10: {  	[smem:$0x3FB7] =	sst s8  }
0x11: {  	[smem:$0x3FB8] =	sst s9;
	s0 =	simm.s32 @!p0 $0x0  }
0x12: {  	s1 =	sld [smem:$0x3F9E];
	s0 =	simm.s32 @p0 $0x1  }
0x13: {  	[smem:$0x3FB9] =	sst s0;
	s0 =	simm.s32 @!p1 $0x0  }
0x14: {  	s2 =	sld [smem:$0x3F9D];
	s0 =	simm.s32 @p1 $0x1  }
0x15: {  	[smem:$0x3FBA] =	sst s0;
	s0 =	simm.s32 @!p2 $0x0  }
0x16: {  	s3 =	sld [smem:$0x3FDB];
	s0 =	simm.s32 @p2 $0x1  }
0x17: {  	s4 =	simm.s32 $0x1BF5;
	[smem:$0x3FBC] =	sst s0  }
0x18: {  	s0 =	sld [smem:$0x3F9F];
	_ =	swait.ge [sflag:s4], $0x0  }
0x19: {  	s7 =	sld [smem:$0x3FA0]  }
0x1a: {  	s8 =	sadd.s32 $0xFFFFE003, lr  }
0x1b: {  	s9 =	sadd.s32 $0xFFFFFEF7, lr;
	s5 =	simm.s32 $0xFFFFFFFF;
	p2 =	slt.u32 s8, $0xFFFFF086  }
0x1c: {  	p1 =	slt.u32 s9, $0xF7A;
	s5 =	simm.s32 @!p2 $0x0  }
0x1d: {  	s5 =	simm.s32 @p1 $0x1;
	p0 =	seq.s32 s7, s2  }
0x1e: {  	s7 =	smul.u32 @!p0 $0xF7A, s2;
	p2 =	seq.s32 @!p0 s5, $0x0  }
0x1f: {  	s9 =	smul.u32 $0xF7A, s1;
	s8 =	simm.s32 @!p0 $0x1BF5;
	p2 =	por !p2, p0  }
0x20: {  	[sflag:s8] =	ssyncset.s32 @!p0 $0xFFFFF086;
	s6 =	sadd.s32 @!p0 s3, s7;
	s7 =	simm.s32 @!p0 $0x108  }
0x21: {  	s3 =	sadd.s32 s3, s9;
	s6 =	sadd.s32 @!p0 $0x88, s6;
	s7 =	simm.s32 @p2 $0x1082  }
0x22: {  	[simem:s7], [sflag:s8] =	dma.local @!p0 [hbm:s6], $0xF7A  }
0x23: {  	s9 =	sor.u32 $0xD0000000, s2;
	s6 =	simm.s32 $0x108;
	_ =	swait.ge @!p0 [sflag:s8], $0x0  }
0x24: {  	s3 =	sadd.s32 $0x88, s3;
	s6 =	simm.s32 @!p1 $0x1082;
	[sflag:s4] =	ssyncset.s32 $0xFFFFF086  }
0x25: {  	[simem:s6], [sflag:s4] =	dma.local [hbm:s3], $0xF7A  }
0x26: {  	[smem:$0x3FA0] =	sst s1;
	(tag) =	ssettag s2;
	_ =	strace s9  }
0x27: {  	s1 =	sld [smem:$0x3FB0]  }
0x28: {  	s2 =	sld [smem:$0x3FB1]  }
0x29: {  	s4 =	sld [smem:$0x3FB3]  }
0x2a: {  	p0 =	seq.s32 s5, $0x0;
	s5 =	sld [smem:$0x3FB4]  }
0x2b: {  	s6 =	sld [smem:$0x3FB5]  }
0x2c: {  	s7 =	sld [smem:$0x3FB6]  }
0x2d: {  	s3 =	simm.s32 $0x108;
	s8 =	sld [smem:$0x3FB7]  }
0x2e: {  	s3 =	simm.s32 @!p0 $0x1082;
	s9 =	sld [smem:$0x3FB8]  }
0x2f: {  	lr =	sadd.s32 s0, s3;
	s0 =	sld [smem:$0x3FAF]  }
0x30: {  	s3 =	sld [smem:$0x3FB2]  }
0x31: {  	[smem:$0x3FBB] =	sst s10  }
0x32: {  	s10 =	sld [smem:$0x3FB9];
	_ =	sdelay $0x3  }
0x33: {  	p0 =	seq.s32 s10, $0x1;
	s10 =	sld [smem:$0x3FBB];
	_ =	sdelay $0x3  }
0x34: {  	[smem:$0x3FBB] =	sst s10  }
0x35: {  	s10 =	sld [smem:$0x3FBA];
	_ =	sdelay $0x3  }
0x36: {  	p1 =	seq.s32 s10, $0x1;
	s10 =	sld [smem:$0x3FBB];
	_ =	sdelay $0x3  }
0x37: {  	[smem:$0x3FBB] =	sst s10  }
0x38: {  	s10 =	sld [smem:$0x3FBC]  }
0x39: {  	_ = 	snop;
	(pc) =	sbr.ind lr, $3  }
0x3a: {  	_ = 	snop  }
0x3b: {  	_ = 	snop  }
0x3c: {  	p2 =	seq.s32 s10, $0x1;
	s10 =	sld [smem:$0x3FBB]  }
0x3d: {  	_ =	shalt  }
0x3e: {  	_ =	shalt  }
0x3f: {  	_ =	shalt  }
0x40: {  	_ =	shalt  }
0x41: {  	_ =	shalt  }
0x42: {  	_ =	shalt  }
0x43: {  	_ =	shalt  }
0x44: {  	_ =	shalt  }
0x45: {  	_ =	shalt  }
0x46: {  	_ =	shalt  }
0x47: {  	_ =	shalt  }
0x48: {  	_ =	shalt  }
0x49: {  	_ =	shalt  }
0x4a: {  	_ =	shalt  }
0x4b: {  	_ =	shalt  }
0x4c: {  	_ =	shalt  }
0x4d: {  	_ =	shalt  }
0x4e: {  	_ =	shalt  }
0x4f: {  	_ =	shalt  }
0x50: {  	_ =	shalt  }
0x51: {  	_ =	shalt  }
0x52: {  	_ =	shalt  }
0x53: {  	_ =	shalt  }
0x54: {  	_ =	shalt  }
0x55: {  	_ =	shalt  }
0x56: {  	_ =	shalt  }
0x57: {  	_ =	shalt  }
0x58: {  	_ =	shalt  }
0x59: {  	_ =	shalt  }
0x5a: {  	_ =	shalt  }
0x5b: {  	_ =	shalt  }
0x5c: {  	_ =	shalt  }
0x5d: {  	_ =	shalt  }
0x5e: {  	_ =	shalt  }
0x5f: {  	_ =	shalt  }
0x60: {  	_ =	shalt  }
0x61: {  	_ =	shalt  }
0x62: {  	_ =	shalt  }
0x63: {  	_ =	shalt  }
0x64: {  	_ =	shalt  }
0x65: {  	_ =	shalt  }
0x66: {  	_ =	shalt  }
0x67: {  	_ =	shalt  }
0x68: {  	_ =	shalt  }
0x69: {  	_ =	shalt  }
0x6a: {  	_ =	shalt  }
0x6b: {  	_ =	shalt  }
0x6c: {  	_ =	shalt  }
0x6d: {  	_ =	shalt  }
0x6e: {  	_ =	shalt  }
0x6f: {  	_ =	shalt  }
0x70: {  	_ =	shalt  }
0x71: {  	_ =	shalt  }
0x72: {  	_ =	shalt  }
0x73: {  	_ =	shalt  }
0x74: {  	_ =	shalt  }
0x75: {  	_ =	shalt  }
0x76: {  	_ =	shalt  }
0x77: {  	_ =	shalt  }
0x78: {  	_ =	shalt  }
0x79: {  	_ =	shalt  }
0x7a: {  	_ =	shalt  }
0x7b: {  	_ =	shalt  }
0x7c: {  	_ =	shalt  }
0x7d: {  	_ =	shalt  }
0x7e: {  	_ =	shalt  }
0x7f: {  	_ =	shalt  }
0x80: {  	_ =	shalt  }
0x81: {  	_ =	shalt  }
0x82: {  	_ =	shalt  }
0x83: {  	_ =	shalt  }
0x84: {  	_ =	shalt  }
0x85: {  	_ =	shalt  }
0x86: {  	_ =	shalt  }
0x87: {  	_ =	shalt  }
.Lfunc_end0:
.L_simem_size_0:
called_computation_lowered:
.L_overlay_start_0:
0x88: {  	s2 =	sld [smem:$0x3FD9]  }
0x89: {  	s3 =	sld [smem:$0x3FFE];
	_ =	sdelay $0x1  }
0x8a: {  	s1 =	srdreg.scid  }
0x8b: {  	s0 =	sand.u32 $0x1, s1  }
0x8c: {  	s14 =	sshll.u32 s0, $0xA;
	s2 =	sadd.s32 s3, s2  }
0x8d: {  	s2 =	sadd.s32 s2, s14  }
0x8e: {  	[smem:$0x3FC7] =	sst s2  }
0x8f: {  	_ = 	snop  }
0x90: {  	s2 =	sld [smem:$0x3FD0];
	_ =	sdelay $0x2  }
0x91: {  	s15 =	simm.s32 $0xA;
	s4 =	simm.s32 $0x10  }
0x92: {  	[smem:s4], [sflag:s15] =	dma.local [hbm:s2], $0x1  }
0x93: {  	_ =	swait.eq [sflag:s15], $0x1  }
0x94: {  	[sflag:s15] =	ssyncset.done $0x0  }
0x95: {  	s16 =	sld [smem:$0x10];
	[sflag:s15] =	ssyncadd.s32 $0xFFFFFFFF  }
0x96: {  	s17 =	sld [smem:$0x11];
	(tm) =	ssettm $0x1  }
0x97: {  	s18 =	sld [smem:$0x3FFB];
	_ =	sdelay $0x3  }
0x98: {  	_ =	strace s18  }
0x99: {  	s4 =	sld [smem:$0x3FFC];
	_ =	sdelay $0x3  }
0x9a: {  	_ =	strace s4  }
0x9b: {  	s4 =	sld [smem:$0x3FFD];
	_ =	sdelay $0x3  }
0x9c: {  	_ =	strace s4  }
0x9d: {  	_ =	strace $0x8FFFFFFF  }
0x9e: {  	s19 =	sld [smem:$0x3FDB];
	_ =	sdelay $0x1  }
0x9f: {  	s5 =	simm.s32 $_scs_section_size  }
0xa0: {  	s6 =	simm.s32 $_size__tile_overlayer_lowered;
	s7 =	simm.s32 $_tile_overlayer_lowered  }
0xa1: {  	s22 =	simm.s32 $0x1BFF;
	s21 =	sshll.u32 s7, $0x1;
	s4 =	sadd.s32 s5, s19  }
0xa2: {  	s8 =	simm.s32 $0x0;
	s20 =	sshll.u32 s6, $0x1;
	s6 =	sadd.s32 s21, s4  }
0xa3: {  	[timem:s8], [sflag:s22] =	dma.local [hbm:s6], s20  }
0xa4: {  	_ =	swait.ge [sflag:s22], s20  }
0xa5: {  	s5 =	ssub.s32 $0x0, s20;
	[sflag:s22] =	ssyncset.done $0x0  }
0xa6: {  	[sflag:s22] =	ssyncadd.s32 s5;
	_ =	sdelay $0x1  }
0xa7: {  	s23 =	simm.s32 $0x1B8B  }
0xa8: {  	_ =	swait.ge [sflag:s23], $0x1  }
0xa9: {  	[sflag:s23] =	ssyncset.done $0x0  }
0xaa: {  	s25 =	simm.s32 $0x1B8E;
	s24 =	sld [smem:$0x3FFE];
	[sflag:s23] =	ssyncadd.s32 $0xFFFFFFFF  }
0xab: {  	s26 =	simm.s32 $execute0_lowered;
	[smem:$0x3FD2] =	sst s25  }
0xac: {  	s6 =	sshll.u32 s26, $0x1;
	_ =	strace $0x80000046;
	[dreg:$0x1] =	wrdreg $0xFFFFFFFF  }
0xad: {  	s28 =	simm.s32 $_size_execute0_lowered;
	s4 =	sadd.s32 s4, s6;
	[dreg:$0x0] =	wrdreg $0x0  }
0xae: {  	s6 =	sshll.u32 s28, $0x1;
	[dreg:$0x2] =	wrdreg s4  }
0xaf: {  	[dreg:$0x3] =	wrdreg s6  }
0xb0: {  	[dreg:$0x4] =	wrdreg $0xC0  }
0xb1: {  	_ =	task [dreg:s8], $0x5FFFF  }
0xb2: {  	[dreg:$0x1] =	wrdreg $0xFFFFFFFF  }
0xb3: {  	[dreg:$0x0] =	wrdreg $0x60  }
0xb4: {  	[dreg:$0x2] =	wrdreg s17  }
0xb5: {  	[dreg:$0x3] =	wrdreg s16  }
0xb6: {  	[dreg:$0x4] =	wrdreg s24  }
0xb7: {  	[dreg:$0x5] =	wrdreg $0x9  }
0xb8: {  	_ =	task.clear_ibuf [dreg:s8], $0x6FFFF;
	_ =	strace $0x90000046  }
0xb9: {  	s29 =	simm.s32 $0x9;
	_ =	strace $0x80000048  }
0xba: {  	_ =	swait.ge [sflag:s29], $0x1  }
0xbb: {  	[sflag:s29] =	ssyncadd.s32 $0xFFFFFFFF  }
0xbc: {  	_ =	strace $0x90000048  }
0xbd: {  	_ =	sfence  }
0xbe: {  	s30 =	sld [smem:$0x0];
	_ =	sdelay $0x2  }
0xbf: {  	s31 =	sshll.u32 s1, $0xD;
	s1 =	sshrl.u32 s1, $0x2  }
0xc0: {  	s3 =	sand.u32 $0x4000, s31;
	s1 =	sadd.s32 s1, s30  }
0xc1: {  	s0 =	sor.u32 s3, s0;
	s1 =	sshll.u32 s1, $0x11  }
0xc2: {  	s0 =	sor.u32 s1, s0  }
0xc3: {  	s0 =	sadd.s32 $0x8F2B, s0  }
0xc4: {  	[sflag:s0] =	ssyncadd.remote.s32 $0x1  }
0xc5: {  	_ =	sfence.sel $0xFFFF  }
0xc6: {  	[dreg:$0x0] =	wrdreg $0xFFFFFFFF;
	(pc) =	sbr.abs _section_cstart, $3  }
0xc7: {  	[dreg:$0x1] =	wrdreg $0xFFFFFFFF  }
0xc8: {  	_ =	task.clear_ibuf [dreg:s8], $0x2FFFF;
	_ =	strace $0x9FFFFFFF  }
0xc9: {  	(tm) =	ssettm $0x7FFFFFFF  }
tec
execute0_lowered:
.L_overlay_start_1:
0x0: {  	(tag) =	ssettag $0x1  }
0x1: {  	s1 =	srdreg.scid;
	s2 =	rddreg [dreg:$0x0]  }
0x2: {  	s0 =	stileid.u32;
	s3 =	rddreg [dreg:$0x1]  }
0x3: {  	s4 =	rddreg [dreg:$0x2];
	s6 =	simm.s32 $0x1;
	s1 =	sshll.u32 s1, $0x6  }
0x4: {  	s9 =	simm.s32 $0x1;
	s5 =	sshll.u32 s0, $0x7;
	s1 =	sand.u32 $0x40, s1  }
0x5: {  	s10 =	simm.s32 $0x3;
	s13 =	simm.s32 $0x0;
	s5 =	sor.u32 s5, s1  }
0x6: {  	s12 =	simm.s32 $0x0;
	s1 =	rddreg [dreg:$0x3];
	s8 =	ssub.s32 $0xB00, s5  }
.Ltmp0:
0x7: {  	_ =	strace $0x80000047;
	s7 =	sand.u32 $0x7C0, s8;
	(pc) =	sbr.rel .LBB2_1-.Ltmp0, $4  }
0x8: {  	[sflag:s6] =	ssyncpa.u1 $0x0;
	s11 =	smov.u32 s5;
	p0 =	sne.s32 s7, $0x0  }
0x9: {  	s8 =	sshrl.u32 s8, $0xB;
	s7 =	simm.s32 $0x2;
	s9 =	simm.s32 @!p0 $0x0  }
0xa: {  	[sflag:s7] =	ssyncpa.u1 $0x0;
	p0 =	por $0x0, $0x0;
	s8 =	sadd.s32 s9, s8  }
0xb: {  	vm0 =	vmmov $0xffff;
	[sflag:s10] =	ssyncpa.u1 $0x0;
	s10 =	simm.s32 $0x0;
	s9 =	sadd.s32 $0x1, s8  }
.LBB2_4:
0xc: {  	v2 =	vnsel vm1, $0x0, v2  }
0xd: {  	vm1 =	vgt.s32 v0, $0x0;
	v2 =	vmin.u32 v2, $0xABF  }
0xe: {  	v0 =	vnsel vm1, $0x0, v0  }
0xf: {  	v0 =	vmin.u32 v0, $0xABF  }
0x10: {  	[tilespmem:s15], [sflag:$0x1] =	stream.indirect_vreg.gather [hbm4b:s2+s10], $0x1, v1, vm0, $0x4038;
	[tilespmem:$0x100] =	vst v63  }
0x11: {  	(ifvalue) =	ssetifvalue $0x7FFFFFFF  }
0x12: {  	[tilespmem:s16], [sflag:$0x1] =	stream.indirect_vreg.gather [hbm4b:s2+s10], $0x1, v2, vm0, $0x4038;
	[tilespmem:$0x100] =	vst v63  }
0x13: {  	s29 =	sadd.s32 $0x10, s16;
	(ifvalue) =	ssetifvalue $0x7FFFFFFF  }
0x14: {  	[tilespmem:s29], [sflag:$0x1] =	stream.indirect_vreg.gather [hbm4b:s2+s10], $0x1, v0, vm0, $0x4038;
	[tilespmem:$0x100] =	vst v63  }
0x15: {  	_ =	swait.ge [sflag:s6], $0x40  }
0x16: {  	s30 =	sshrl.u32 s13, $0x3;
	[sflag:s6] =	ssyncset.done $0x0  }
0x17: {  	s31 =	sand.u32 $0x7, s13;
	s15 =	sadd.s32 s4, s30;
	[sflag:s6] =	ssyncadd.s32 $0xFFFFFFC0  }
0x18: {  	[hbm4b:s15+s31] =	stream.linear.scatter [tilespmem:s14], [sflag:$0x3], $0x40, $0x38;
	[tilespmem:$0x100] =	vst v63  }
.LBB2_5:
0x19: {  	s15 =	sadd.s32 $0x800, s11  }
0x1a: {  	p2 =	sgt.s32 s15, $0xAFF  }
0x1b: {  	s15 =	smov.u32 @p2 s5;
	p2 =	sne.s32 s12, s9  }
.Ltmp1:
0x1c: {  	p1 =	slt.u32 s12, $0x2;
	(pc) =	sbr.rel @!p2 .LBB2_6-.Ltmp1, $4  }
0x1d: {  	s14 =	simm.s32 @!p1 $0x3  }
0x1e: {  	s16 =	sadd.s32 $0x1, s12;
	_ =	swait.ge @!p1 [sflag:s14], $0x40  }
0x1f: {  	s13 =	smov.u32 s11;
	p0 =	por !p0, !p0;
	[sflag:s14] =	ssyncset.done @!p1 $0x0  }
0x20: {  	s12 =	smov.u32 s16;
	s11 =	smov.u32 s15;
	[sflag:s14] =	ssyncadd.s32 @!p1 $0xFFFFFFC0  }
.LBB2_1:
0x21: {  	p1 =	sge.u32 s12, s8  }
0x22: {  	s14 =	sxor.u32 @!p1 $0xFFFFFFFF, s12  }
0x23: {  	s31 =	sadd.s32 $0xFFFFFFFF, s12;
	s15 =	sshrl.u32 @!p1 s11, $0x3;
	s14 =	sshll.u32 @!p1 s14, $0x6  }
0x24: {  	s16 =	sand.u32 @!p1 $0x7, s11;
	s15 =	sadd.s32 @!p1 s3, s15;
	s14 =	sand.u32 @!p1 $0x40, s14  }
0x25: {  	[tilespmem:s14], [sflag:$0x2] =	stream.linear.gather @!p1 [hbm4b:s15+s16], $0x40, $0x38;
	[tilespmem:$0x100] =	vst v63  }
0x26: {  	p1 =	sge.u32 s31, s8  }
.Ltmp2:
0x27: {  	_ = 	snop;
	(pc) =	sbr.rel @p1 .LBB2_5-.Ltmp2, $1  }
0x28: {  	_ =	sdelay $0x3  }
0x29: {  	s14 =	simm.s32 $0x1  }
0x2a: {  	_ =	swait.ge [sflag:s7], $0x40;
	s14 =	simm.s32 @!p0 $0x0  }
0x2b: {  	[sflag:s7] =	ssyncset.done $0x0;
	s14 =	sshll.u32 s14, $0x6  }
0x2c: {  	[sflag:s7] =	ssyncadd.s32 $0xFFFFFFC0;
	(ifvalue) =	ssetifvalue $0x7FFFFFFF;
	v0 =	vld.msk [tilespmem:s14+$0x0 ss:$0x1], $0xffff;
	_ =	sdelay $0x4  }
0x2d: {  	s15 =	sadd.s32 $0x10, s14;
	vm1 =	vgt.s32 v0, $0x0  }
0x2e: {  	v2 =	vld.msk [tilespmem:s15+$0x0 ss:$0x1], $0xffff;
	v1 =	vnsel vm1, $0x0, v0  }
0x2f: {  	v1 =	vmin.u32 v1, $0xABF;
	_ =	sdelay $0x1  }
0x30: {  	s16 =	sshll.u32 s12, $0x6;
	s18 =	simm.s32 $0x20  }
0x31: {  	s16 =	sand.u32 $0x40, s16;
	s17 =	sadd.s32 $0x10, s15;
	s15 =	sor.u32 $0x80, s14  }
0x32: {  	s14 =	sor.u32 $0x80, s16;
	s16 =	sadd.s32 $0x10, s15;
	v0 =	vld.msk [tilespmem:s17+$0x0 ss:$0x1], $0xffff;
	vm1 =	vgt.s32 v2, $0x0;
	(ifvalue) =	ssetifvalue $0x7FFFFFFF  }
.LBB2_3:
0x33: {  	[tilespmem:s15], [sflag:$0x1] =	stream.indirect_vreg.gather [hbm4b:s2+s10], $0x1, v1, vm0, $0x4038;
	[tilespmem:$0x100] =	vst v63  }
0x34: {  	s18 =	sadd.s32 $0x10, s18  }
0x35: {  	v2 =	vnsel vm1, $0x0, v2;
	p1 =	slt.u32 s18, $0x30  }
.Ltmp3:
0x36: {  	s15 =	smov.u32 s16;
	v1 =	vmin.u32 v2, $0xABF;
	(pc) =	sbr.rel @p1 .LBB2_3-.Ltmp3, $3  }
0x37: {  	_ =	sdelay $0x1  }
0x38: {  	s17 =	sadd.s32 $0x10, s17  }
0x39: {  	vm1 =	vgt.s32 v0, $0x0;
	s16 =	sadd.s32 $0x10, s16;
	v2 =	vmov v0;
	(ifvalue) =	ssetifvalue $0x7FFFFFFF;
	v0 =	vld.msk [tilespmem:s17+$0x0 ss:$0x1], $0xffff  }
.Ltmp4:
0x3a: {  	_ = 	snop;
	(pc) =	sbr.rel .LBB2_4-.Ltmp4, $1  }
0x3b: {  	_ =	sdelay $0x3  }
.LBB2_6:
0x3c: {  	_ =	sfence.sel $0x180000  }
0x3d: {  	s2 =	simm.s32 $0x2;
	[bflag:$0x0] =	sbarrier.arrive $0xFFFF  }
0x3e: {  	s30 =	simm.s32 $0x3;
	[sflag:s2] =	ssyncpa.u1 $0x1  }
0x3f: {  	s31 =	simm.s32 $0x1;
	[sflag:s30] =	ssyncpa.u1 $0x1  }
0x40: {  	[sflag:s31] =	ssyncpa.u1 $0x1  }
0x41: {  	p0 =	sne.s32 s0, $0x0;
	_ =	strace $0x90000047  }
0x42: {  	s0 =	sadd.s32 @!p0 $0x100000, s1;
	[bflag:$0x2] =	sbarrier.arrive $0xFFFF  }
0x43: {  	[sflag:s0] =	ssyncadd.tile.s32 @!p0 $0x1;
	_ =	shalt  }
.Lfunc_end2:
_tile_overlayer_lowered:
.L_overlay_start_2:
0x44: {  	(tag) =	ssettag $0x2  }
0x45: {  	s0 =	rddreg [dreg:$0x0];
	s2 =	stileid.u32  }
0x46: {  	s1 =	rddreg [dreg:$0x1];
	p0 =	sne.s32 s2, $0x0  }
0x47: {  	s3 =	rddreg [dreg:$0x2];
	[bflag:$0x3] =	sbarrier.arrive $0xFFFF;
	s2 =	simm.s32 @!p0 $0x1C01  }
0x48: {  	[timem:s3], [sflag:s2] =	dma.local @!p0 [hbm:s0], s1  }
0x49: {  	s0 =	simm.s32 @!p0 $0x1  }
0x4a: {  	_ =	swait.ge @!p0 [sflag:s0], s1  }
0x4b: {  	s1 =	ssub.s32 @!p0 $0x0, s1;
	[sflag:s0] =	ssyncset.done @!p0 $0x0  }
0x4c: {  	[sflag:s0] =	ssyncadd.s32 @!p0 s1  }
0x4d: {  	[bflag:$0x3] =	sbarrier.arrive $0xFFFF  }
0x4e: {  	_ =	shalt  }

// kernel: kernel.7.cloned.1.call-start
scs
__scs_entry_jumppad:
0x0: {  	(pc) =	sbr.rel $0x88, $3  }
0x1: {  	(tag) =	ssettag $0x0;
	lr =	simm.s32 $0x1  }
0x2: {  	[smem:$0x3FA0] =	sst lr;
	_ =	strace $0xD0000000  }
0x3: {  	_ = 	snop  }
0x4: {  	_ = 	snop  }
0x5: {  	_ = 	snop  }
0x6: {  	_ = 	snop  }
0x7: {  	_ = 	snop  }
__scs_overlays_trampoline_lowered:
0x8: {  	[smem:$0x3FAF] =	sst s0  }
0x9: {  	[smem:$0x3FB0] =	sst s1  }
0xa: {  	[smem:$0x3FB1] =	sst s2  }
0xb: {  	[smem:$0x3FB2] =	sst s3  }
0xc: {  	[smem:$0x3FB3] =	sst s4  }
0xd: {  	[smem:$0x3FB4] =	sst s5  }
0xe: {  	[smem:$0x3FB5] =	sst s6  }
0xf: {  	[smem:$0x3FB6] =	sst s7  }
0x10: {  	[smem:$0x3FB7] =	sst s8  }
0x11: {  	[smem:$0x3FB8] =	sst s9;
	s0 =	simm.s32 @!p0 $0x0  }
0x12: {  	s1 =	sld [smem:$0x3F9E];
	s0 =	simm.s32 @p0 $0x1  }
0x13: {  	[smem:$0x3FB9] =	sst s0;
	s0 =	simm.s32 @!p1 $0x0  }
0x14: {  	s2 =	sld [smem:$0x3F9D];
	s0 =	simm.s32 @p1 $0x1  }
0x15: {  	[smem:$0x3FBA] =	sst s0;
	s0 =	simm.s32 @!p2 $0x0  }
0x16: {  	s3 =	sld [smem:$0x3FDB];
	s0 =	simm.s32 @p2 $0x1  }
0x17: {  	s4 =	simm.s32 $0x1BF5;
	[smem:$0x3FBC] =	sst s0  }
0x18: {  	s0 =	sld [smem:$0x3F9F];
	_ =	swait.ge [sflag:s4], $0x0  }
0x19: {  	s7 =	sld [smem:$0x3FA0]  }
0x1a: {  	s8 =	sadd.s32 $0xFFFFE003, lr  }
0x1b: {  	s9 =	sadd.s32 $0xFFFFFEF7, lr;
	s5 =	simm.s32 $0xFFFFFFFF;
	p2 =	slt.u32 s8, $0xFFFFF086  }
0x1c: {  	p1 =	slt.u32 s9, $0xF7A;
	s5 =	simm.s32 @!p2 $0x0  }
0x1d: {  	s5 =	simm.s32 @p1 $0x1;
	p0 =	seq.s32 s7, s2  }
0x1e: {  	s7 =	smul.u32 @!p0 $0xF7A, s2;
	p2 =	seq.s32 @!p0 s5, $0x0  }
0x1f: {  	s9 =	smul.u32 $0xF7A, s1;
	s8 =	simm.s32 @!p0 $0x1BF5;
	p2 =	por !p2, p0  }
0x20: {  	[sflag:s8] =	ssyncset.s32 @!p0 $0xFFFFF086;
	s6 =	sadd.s32 @!p0 s3, s7;
	s7 =	simm.s32 @!p0 $0x108  }
0x21: {  	s3 =	sadd.s32 s3, s9;
	s6 =	sadd.s32 @!p0 $0x88, s6;
	s7 =	simm.s32 @p2 $0x1082  }
0x22: {  	[simem:s7], [sflag:s8] =	dma.local @!p0 [hbm:s6], $0xF7A  }
0x23: {  	s9 =	sor.u32 $0xD0000000, s2;
	s6 =	simm.s32 $0x108;
	_ =	swait.ge @!p0 [sflag:s8], $0x0  }
0x24: {  	s3 =	sadd.s32 $0x88, s3;
	s6 =	simm.s32 @!p1 $0x1082;
	[sflag:s4] =	ssyncset.s32 $0xFFFFF086  }
0x25: {  	[simem:s6], [sflag:s4] =	dma.local [hbm:s3], $0xF7A  }
0x26: {  	[smem:$0x3FA0] =	sst s1;
	(tag) =	ssettag s2;
	_ =	strace s9  }
0x27: {  	s1 =	sld [smem:$0x3FB0]  }
0x28: {  	s2 =	sld [smem:$0x3FB1]  }
0x29: {  	s4 =	sld [smem:$0x3FB3]  }
0x2a: {  	p0 =	seq.s32 s5, $0x0;
	s5 =	sld [smem:$0x3FB4]  }
0x2b: {  	s6 =	sld [smem:$0x3FB5]  }
0x2c: {  	s7 =	sld [smem:$0x3FB6]  }
0x2d: {  	s3 =	simm.s32 $0x108;
	s8 =	sld [smem:$0x3FB7]  }
0x2e: {  	s3 =	simm.s32 @!p0 $0x1082;
	s9 =	sld [smem:$0x3FB8]  }
0x2f: {  	lr =	sadd.s32 s0, s3;
	s0 =	sld [smem:$0x3FAF]  }
0x30: {  	s3 =	sld [smem:$0x3FB2]  }
0x31: {  	[smem:$0x3FBB] =	sst s10  }
0x32: {  	s10 =	sld [smem:$0x3FB9];
	_ =	sdelay $0x3  }
0x33: {  	p0 =	seq.s32 s10, $0x1;
	s10 =	sld [smem:$0x3FBB];
	_ =	sdelay $0x3  }
0x34: {  	[smem:$0x3FBB] =	sst s10  }
0x35: {  	s10 =	sld [smem:$0x3FBA];
	_ =	sdelay $0x3  }
0x36: {  	p1 =	seq.s32 s10, $0x1;
	s10 =	sld [smem:$0x3FBB];
	_ =	sdelay $0x3  }
0x37: {  	[smem:$0x3FBB] =	sst s10  }
0x38: {  	s10 =	sld [smem:$0x3FBC]  }
0x39: {  	_ = 	snop;
	(pc) =	sbr.ind lr, $3  }
0x3a: {  	_ = 	snop  }
0x3b: {  	_ = 	snop  }
0x3c: {  	p2 =	seq.s32 s10, $0x1;
	s10 =	sld [smem:$0x3FBB]  }
0x3d: {  	_ =	shalt  }
0x3e: {  	_ =	shalt  }
0x3f: {  	_ =	shalt  }
0x40: {  	_ =	shalt  }
0x41: {  	_ =	shalt  }
0x42: {  	_ =	shalt  }
0x43: {  	_ =	shalt  }
0x44: {  	_ =	shalt  }
0x45: {  	_ =	shalt  }
0x46: {  	_ =	shalt  }
0x47: {  	_ =	shalt  }
0x48: {  	_ =	shalt  }
0x49: {  	_ =	shalt  }
0x4a: {  	_ =	shalt  }
0x4b: {  	_ =	shalt  }
0x4c: {  	_ =	shalt  }
0x4d: {  	_ =	shalt  }
0x4e: {  	_ =	shalt  }
0x4f: {  	_ =	shalt  }
0x50: {  	_ =	shalt  }
0x51: {  	_ =	shalt  }
0x52: {  	_ =	shalt  }
0x53: {  	_ =	shalt  }
0x54: {  	_ =	shalt  }
0x55: {  	_ =	shalt  }
0x56: {  	_ =	shalt  }
0x57: {  	_ =	shalt  }
0x58: {  	_ =	shalt  }
0x59: {  	_ =	shalt  }
0x5a: {  	_ =	shalt  }
0x5b: {  	_ =	shalt  }
0x5c: {  	_ =	shalt  }
0x5d: {  	_ =	shalt  }
0x5e: {  	_ =	shalt  }
0x5f: {  	_ =	shalt  }
0x60: {  	_ =	shalt  }
0x61: {  	_ =	shalt  }
0x62: {  	_ =	shalt  }
0x63: {  	_ =	shalt  }
0x64: {  	_ =	shalt  }
0x65: {  	_ =	shalt  }
0x66: {  	_ =	shalt  }
0x67: {  	_ =	shalt  }
0x68: {  	_ =	shalt  }
0x69: {  	_ =	shalt  }
0x6a: {  	_ =	shalt  }
0x6b: {  	_ =	shalt  }
0x6c: {  	_ =	shalt  }
0x6d: {  	_ =	shalt  }
0x6e: {  	_ =	shalt  }
0x6f: {  	_ =	shalt  }
0x70: {  	_ =	shalt  }
0x71: {  	_ =	shalt  }
0x72: {  	_ =	shalt  }
0x73: {  	_ =	shalt  }
0x74: {  	_ =	shalt  }
0x75: {  	_ =	shalt  }
0x76: {  	_ =	shalt  }
0x77: {  	_ =	shalt  }
0x78: {  	_ =	shalt  }
0x79: {  	_ =	shalt  }
0x7a: {  	_ =	shalt  }
0x7b: {  	_ =	shalt  }
0x7c: {  	_ =	shalt  }
0x7d: {  	_ =	shalt  }
0x7e: {  	_ =	shalt  }
0x7f: {  	_ =	shalt  }
0x80: {  	_ =	shalt  }
0x81: {  	_ =	shalt  }
0x82: {  	_ =	shalt  }
0x83: {  	_ =	shalt  }
0x84: {  	_ =	shalt  }
0x85: {  	_ =	shalt  }
0x86: {  	_ =	shalt  }
0x87: {  	_ =	shalt  }
.Lfunc_end0:
.L_simem_size_0:
called_computation.1_lowered:
.L_overlay_start_0:
0x88: {  	s2 =	sld [smem:$0x3FD9]  }
0x89: {  	s3 =	sld [smem:$0x3FFE];
	_ =	sdelay $0x1  }
0x8a: {  	s1 =	srdreg.scid  }
0x8b: {  	s0 =	sand.u32 $0x1, s1  }
0x8c: {  	s14 =	sshll.u32 s0, $0xA;
	s2 =	sadd.s32 s3, s2  }
0x8d: {  	s2 =	sadd.s32 s2, s14  }
0x8e: {  	[smem:$0x3FC7] =	sst s2  }
0x8f: {  	_ = 	snop  }
0x90: {  	s2 =	sld [smem:$0x3FD0];
	_ =	sdelay $0x2  }
0x91: {  	s4 =	simm.s32 $0xA;
	s5 =	simm.s32 $0x10;
	s15 =	sld [smem:$0x3FC9]  }
0x92: {  	[smem:s5], [sflag:s4] =	dma.local [hbm:s2], $0x1  }
0x93: {  	_ =	swait.eq [sflag:s4], $0x1  }
0x94: {  	[sflag:s4] =	ssyncset.done $0x0  }
0x95: {  	[sflag:s4] =	ssyncadd.s32 $0xFFFFFFFF  }
0x96: {  	s16 =	sld [smem:$0x10];
	(tm) =	ssettm $0x1  }
0x97: {  	s17 =	sld [smem:$0x3FFB];
	_ =	sdelay $0x3  }
0x98: {  	_ =	strace s17  }
0x99: {  	s4 =	sld [smem:$0x3FFC];
	_ =	sdelay $0x3  }
0x9a: {  	_ =	strace s4  }
0x9b: {  	s4 =	sld [smem:$0x3FFD];
	_ =	sdelay $0x3  }
0x9c: {  	_ =	strace s4  }
0x9d: {  	_ =	strace $0x8FFFFFFF  }
0x9e: {  	s18 =	sld [smem:$0x3FDB];
	_ =	sdelay $0x1  }
0x9f: {  	s19 =	simm.s32 $_scs_section_size  }
0xa0: {  	s6 =	simm.s32 $_size__tile_overlayer_lowered;
	s7 =	simm.s32 $_tile_overlayer_lowered  }
0xa1: {  	s22 =	simm.s32 $0x1BFF;
	s21 =	sshll.u32 s7, $0x1;
	s4 =	sadd.s32 s19, s18  }
0xa2: {  	s8 =	simm.s32 $0x0;
	s20 =	sshll.u32 s6, $0x1;
	s6 =	sadd.s32 s21, s4  }
0xa3: {  	[timem:s8], [sflag:s22] =	dma.local [hbm:s6], s20  }
0xa4: {  	_ =	swait.ge [sflag:s22], s20  }
0xa5: {  	s5 =	ssub.s32 $0x0, s20;
	[sflag:s22] =	ssyncset.done $0x0  }
0xa6: {  	[sflag:s22] =	ssyncadd.s32 s5;
	_ =	sdelay $0x1  }
0xa7: {  	s23 =	simm.s32 $0x1B8B  }
0xa8: {  	_ =	swait.ge [sflag:s23], $0x1  }
0xa9: {  	[sflag:s23] =	ssyncset.done $0x0  }
0xaa: {  	s25 =	simm.s32 $0x1B8E;
	s24 =	sld [smem:$0x3FFE];
	[sflag:s23] =	ssyncadd.s32 $0xFFFFFFFF  }
0xab: {  	s26 =	simm.s32 $execute0_lowered;
	[smem:$0x3FD2] =	sst s25  }
0xac: {  	s6 =	sshll.u32 s26, $0x1;
	_ =	strace $0x80000049;
	[dreg:$0x1] =	wrdreg $0xFFFFFFFF  }
0xad: {  	s28 =	simm.s32 $_size_execute0_lowered;
	s4 =	sadd.s32 s4, s6;
	[dreg:$0x0] =	wrdreg $0x0  }
0xae: {  	s6 =	sshll.u32 s28, $0x1;
	[dreg:$0x2] =	wrdreg s4  }
0xaf: {  	[dreg:$0x3] =	wrdreg s6  }
0xb0: {  	[dreg:$0x4] =	wrdreg $0xC0  }
0xb1: {  	_ =	task [dreg:s8], $0x5FFFF  }
0xb2: {  	[dreg:$0x1] =	wrdreg $0xFFFFFFFF  }
0xb3: {  	[dreg:$0x0] =	wrdreg $0x60  }
0xb4: {  	[dreg:$0x2] =	wrdreg s15  }
0xb5: {  	[dreg:$0x3] =	wrdreg s24  }
0xb6: {  	[dreg:$0x4] =	wrdreg s16  }
0xb7: {  	[dreg:$0x5] =	wrdreg $0x9  }
0xb8: {  	_ =	task.clear_ibuf [dreg:s8], $0x6FFFF;
	_ =	strace $0x90000049  }
0xb9: {  	s29 =	simm.s32 $0x9;
	_ =	strace $0x8000004B  }
0xba: {  	_ =	swait.ge [sflag:s29], $0x1  }
0xbb: {  	[sflag:s29] =	ssyncadd.s32 $0xFFFFFFFF  }
0xbc: {  	_ =	strace $0x9000004B  }
0xbd: {  	_ =	sfence  }
0xbe: {  	s30 =	sld [smem:$0x0];
	_ =	sdelay $0x2  }
0xbf: {  	s31 =	sshll.u32 s1, $0xD;
	s1 =	sshrl.u32 s1, $0x2  }
0xc0: {  	s3 =	sand.u32 $0x4000, s31;
	s1 =	sadd.s32 s1, s30  }
0xc1: {  	s0 =	sor.u32 s3, s0;
	s1 =	sshll.u32 s1, $0x11  }
0xc2: {  	s0 =	sor.u32 s1, s0  }
0xc3: {  	s0 =	sadd.s32 $0x8F2B, s0  }
0xc4: {  	[sflag:s0] =	ssyncadd.remote.s32 $0x1  }
0xc5: {  	_ =	sfence.sel $0xFFFF  }
0xc6: {  	[dreg:$0x0] =	wrdreg $0xFFFFFFFF;
	(pc) =	sbr.abs _section_cstart, $3  }
0xc7: {  	[dreg:$0x1] =	wrdreg $0xFFFFFFFF  }
0xc8: {  	_ =	task.clear_ibuf [dreg:s8], $0x2FFFF;
	_ =	strace $0x9FFFFFFF  }
0xc9: {  	(tm) =	ssettm $0x7FFFFFFF  }
tec
execute0_lowered:
.L_overlay_start_1:
0x0: {  	(tag) =	ssettag $0x1  }
0x1: {  	s1 =	srdreg.scid;
	s2 =	rddreg [dreg:$0x0]  }
0x2: {  	s0 =	stileid.u32;
	s4 =	rddreg [dreg:$0x1]  }
0x3: {  	s6 =	rddreg [dreg:$0x2];
	s16 =	simm.s32 $0x880;
	s17 =	simm.s32 $0x1080  }
0x4: {  	s18 =	simm.s32 $0x1880;
	s1 =	sand.u32 $0x1, s1;
	s3 =	sshll.u32 s0, $0x1  }
0x5: {  	s20 =	simm.s32 $0x2080;
	s21 =	simm.s32 $0x2880;
	s3 =	sor.u32 s1, s3  }
0x6: {  	s22 =	simm.s32 $0x3080;
	s23 =	simm.s32 $0x3880;
	s5 =	smul.u32 $0x56, s3  }
0x7: {  	s24 =	simm.s32 $0x4080;
	s7 =	smul.u32 $0xB, s3;
	s3 =	simm.s32 $0x0  }
0x8: {  	s25 =	simm.s32 $0x4880;
	s8 =	simm.s32 $0x80;
	[smem:$0x7FF] =	sst s3  }
0x9: {  	s26 =	simm.s32 $0x5080;
	_ =	strace $0x8000004A;
	[dreg:$0x6] =	wrdreg s16  }
0xa: {  	s10 =	simm.s32 $0x6080;
	s11 =	simm.s32 $0x6880;
	[dreg:$0x7] =	wrdreg s17  }
0xb: {  	s12 =	simm.s32 $0x7080;
	s13 =	simm.s32 $0x7880;
	[dreg:$0x8] =	wrdreg s18  }
0xc: {  	s14 =	simm.s32 $0x8080;
	s28 =	simm.s32 $0xE880;
	[dreg:$0x9] =	wrdreg s20  }
0xd: {  	s29 =	simm.s32 $0xF080;
	s1 =	ssub.s32 $0x2, s1;
	[dreg:$0xa] =	wrdreg s21  }
0xe: {  	s30 =	simm.s32 $0xF880;
	s19 =	sshrl.u32 s1, $0x1;
	[dreg:$0xb] =	wrdreg s22  }
0xf: {  	s31 =	simm.s32 $0x10080;
	s1 =	ssub.s32 s1, s19;
	[dreg:$0xc] =	wrdreg s23  }
0x10: {  	s19 =	simm.s32 $0xA880;
	s5 =	sshrl.u32 s5, $0x3;
	[dreg:$0xd] =	wrdreg s24  }
0x11: {  	s4 =	sadd.s32 s7, s4;
	s7 =	simm.s32 $0x2;
	[dreg:$0xe] =	wrdreg s25  }
0x12: {  	[dreg:$0xf] =	wrdreg s26;
	s16 =	simm.s32 $0x9080;
	s17 =	simm.s32 $0x9880  }
0x13: {  	s18 =	simm.s32 $0xA080;
	s20 =	simm.s32 $0xB080;
	s21 =	simm.s32 $0xB880  }
0x14: {  	s22 =	simm.s32 $0xC080;
	s23 =	simm.s32 $0xC880;
	s24 =	simm.s32 $0xD080  }
0x15: {  	s25 =	simm.s32 $0xD880;
	s5 =	smul.u32 $0x300, s5;
	s4 =	sadd.s32 $0x200, s4  }
0x16: {  	v2 =	vlaneseq.u32;
	s26 =	simm.s32 $0xE080;
	[dreg:$0x4] =	wrdreg s4;
	s4 =	sadd.s32 $0x100, s2  }
0x17: {  	vm0 =	vmmov $0xffff;
	v1 =	vshrl.u32 v2, $0x3;
	s15 =	sadd.s32 s6, s5;
	s5 =	sadd.s32 $0x200, s2;
	s6 =	smax.u32 s1, $0x1  }
0x18: {  	v0 =	vand.u32 $0x7, v2;
	v2 =	vor.u32 $0x8, v2;
	v1 =	vmul.u32 $0x8, v1;
	s1 =	simm.s32 $0x1;
	[dreg:$0x5] =	wrdreg s15;
	s15 =	simm.s32 $0x8880  }
.LBB2_1:
0x19: {  	s0 =	rddreg [dreg:$0x4]  }
0x1a: {  	[tilespmem:s3], [sflag:$0x2] =	stream.linear.gather [hbm4b:s0+s3], $0x58, $0x38;
	[tilespmem:$0x10880] =	vst v63  }
0x1b: {  	_ =	swait.ge [sflag:s7], $0x58  }
0x1c: {  	[sflag:s7] =	ssyncset.done $0x0  }
0x1d: {  	[sflag:s7] =	ssyncadd.s32 $0xFFFFFFA8  }
0x1e: {  	v3 =	vld [tilespmem:$0x0];
	_ =	sdelay $0x4  }
0x1f: {  	v4 =	vshrl.u32 v3, $0x3  }
0x20: {  	v4 =	vmul.u32 $0x30, v4  }
0x21: {  	v3 =	vand.u32 $0x7, v3  }
0x22: {  	v3 =	vor.u32 v3, v4  }
0x23: {  	v4 =	vperm.xlane v3, v0;
	_ =	sdelay $0x1  }
0x24: {  	v4 =	vadd.s32 v1, v4;
	_ =	sdelay $0x3  }
0x25: {  	v3 =	vperm.xlane v3, v2  }
0x26: {  	[tilespmem:s8], [sflag:$0x1] =	stream.indirect_vreg.gather [hbm4b:s2+s3], $0x80, v4, vm0, $0xb8;
	[tilespmem:$0x10880] =	vst v63  }
0x27: {  	s0 =	rddreg [dreg:$0x6];
	v3 =	vadd.s32 v1, v3  }
0x28: {  	[tilespmem:s0], [sflag:$0x1] =	stream.indirect_vreg.gather [hbm4b:s4+s3], $0x80, v4, vm0, $0xb8;
	[tilespmem:$0x10880] =	vst v63  }
0x29: {  	s9 =	rddreg [dreg:$0x7]  }
0x2a: {  	[tilespmem:s9], [sflag:$0x1] =	stream.indirect_vreg.gather [hbm4b:s5+s3], $0x80, v4, vm0, $0xb8;
	[tilespmem:$0x10880] =	vst v63  }
0x2b: {  	s0 =	rddreg [dreg:$0x8]  }
0x2c: {  	[tilespmem:s0], [sflag:$0x1] =	stream.indirect_vreg.gather [hbm4b:s2+s3], $0x80, v3, vm0, $0xb8;
	[tilespmem:$0x10880] =	vst v63  }
0x2d: {  	s9 =	rddreg [dreg:$0x9]  }
0x2e: {  	[tilespmem:s9], [sflag:$0x1] =	stream.indirect_vreg.gather [hbm4b:s4+s3], $0x80, v3, vm0, $0xb8;
	[tilespmem:$0x10880] =	vst v63  }
0x2f: {  	s0 =	rddreg [dreg:$0xa]  }
0x30: {  	[tilespmem:s0], [sflag:$0x1] =	stream.indirect_vreg.gather [hbm4b:s5+s3], $0x80, v3, vm0, $0xb8;
	[tilespmem:$0x10880] =	vst v63  }
0x31: {  	v3 =	vld [tilespmem:$0x10];
	_ =	sdelay $0x4  }
0x32: {  	v59 =	vshrl.u32 v3, $0x3  }
0x33: {  	v4 =	vmul.u32 $0x30, v59  }
0x34: {  	v3 =	vand.u32 $0x7, v3  }
0x35: {  	v3 =	vor.u32 v3, v4  }
0x36: {  	v4 =	vperm.xlane v3, v0;
	_ =	sdelay $0x1  }
0x37: {  	v4 =	vadd.s32 v1, v4;
	_ =	sdelay $0x3  }
0x38: {  	s0 =	rddreg [dreg:$0xb];
	v3 =	vperm.xlane v3, v2  }
0x39: {  	[tilespmem:s0], [sflag:$0x1] =	stream.indirect_vreg.gather [hbm4b:s2+s3], $0x80, v4, vm0, $0xb8;
	[tilespmem:$0x10880] =	vst v63  }
0x3a: {  	s9 =	rddreg [dreg:$0xc];
	v3 =	vadd.s32 v1, v3  }
0x3b: {  	[tilespmem:s9], [sflag:$0x1] =	stream.indirect_vreg.gather [hbm4b:s4+s3], $0x80, v4, vm0, $0xb8;
	[tilespmem:$0x10880] =	vst v63  }
0x3c: {  	s0 =	rddreg [dreg:$0xd]  }
0x3d: {  	[tilespmem:s0], [sflag:$0x1] =	stream.indirect_vreg.gather [hbm4b:s5+s3], $0x80, v4, vm0, $0xb8;
	[tilespmem:$0x10880] =	vst v63  }
0x3e: {  	s9 =	rddreg [dreg:$0xe]  }
0x3f: {  	[tilespmem:s9], [sflag:$0x1] =	stream.indirect_vreg.gather [hbm4b:s2+s3], $0x80, v3, vm0, $0xb8;
	[tilespmem:$0x10880] =	vst v63  }
0x40: {  	s0 =	rddreg [dreg:$0xf]  }
0x41: {  	[tilespmem:s0], [sflag:$0x1] =	stream.indirect_vreg.gather [hbm4b:s4+s3], $0x80, v3, vm0, $0xb8;
	[tilespmem:$0x10880] =	vst v63  }
0x42: {  	s9 =	simm.s32 $0x5880  }
0x43: {  	[tilespmem:s9], [sflag:$0x1] =	stream.indirect_vreg.gather [hbm4b:s5+s3], $0x80, v3, vm0, $0xb8;
	[tilespmem:$0x10880] =	vst v63  }
0x44: {  	v3 =	vld [tilespmem:$0x20];
	_ =	sdelay $0x4  }
0x45: {  	v60 =	vshrl.u32 v3, $0x3  }
0x46: {  	v4 =	vmul.u32 $0x30, v60  }
0x47: {  	v3 =	vand.u32 $0x7, v3  }
0x48: {  	v3 =	vor.u32 v3, v4  }
0x49: {  	v4 =	vperm.xlane v3, v0;
	_ =	sdelay $0x1  }
0x4a: {  	v4 =	vadd.s32 v1, v4;
	_ =	sdelay $0x3  }
0x4b: {  	v3 =	vperm.xlane v3, v2  }
0x4c: {  	[tilespmem:s10], [sflag:$0x1] =	stream.indirect_vreg.gather [hbm4b:s2+s3], $0x80, v4, vm0, $0xb8;
	[tilespmem:$0x10880] =	vst v63  }
0x4d: {  	v3 =	vadd.s32 v1, v3  }
0x4e: {  	[tilespmem:s11], [sflag:$0x1] =	stream.indirect_vreg.gather [hbm4b:s4+s3], $0x80, v4, vm0, $0xb8;
	[tilespmem:$0x10880] =	vst v63  }
0x4f: {  	_ = 	snop  }
0x50: {  	[tilespmem:s12], [sflag:$0x1] =	stream.indirect_vreg.gather [hbm4b:s5+s3], $0x80, v4, vm0, $0xb8;
	[tilespmem:$0x10880] =	vst v63  }
0x51: {  	_ = 	snop  }
0x52: {  	[tilespmem:s13], [sflag:$0x1] =	stream.indirect_vreg.gather [hbm4b:s2+s3], $0x80, v3, vm0, $0xb8;
	[tilespmem:$0x10880] =	vst v63  }
0x53: {  	_ = 	snop  }
0x54: {  	[tilespmem:s14], [sflag:$0x1] =	stream.indirect_vreg.gather [hbm4b:s4+s3], $0x80, v3, vm0, $0xb8;
	[tilespmem:$0x10880] =	vst v63  }
0x55: {  	_ = 	snop  }
0x56: {  	[tilespmem:s15], [sflag:$0x1] =	stream.indirect_vreg.gather [hbm4b:s5+s3], $0x80, v3, vm0, $0xb8;
	[tilespmem:$0x10880] =	vst v63  }
0x57: {  	v3 =	vld [tilespmem:$0x30];
	_ =	sdelay $0x4  }
0x58: {  	v61 =	vshrl.u32 v3, $0x3  }
0x59: {  	v4 =	vmul.u32 $0x30, v61  }
0x5a: {  	v3 =	vand.u32 $0x7, v3  }
0x5b: {  	v3 =	vor.u32 v3, v4  }
0x5c: {  	v4 =	vperm.xlane v3, v0;
	_ =	sdelay $0x1  }
0x5d: {  	v4 =	vadd.s32 v1, v4;
	_ =	sdelay $0x3  }
0x5e: {  	v3 =	vperm.xlane v3, v2  }
0x5f: {  	[tilespmem:s16], [sflag:$0x1] =	stream.indirect_vreg.gather [hbm4b:s2+s3], $0x80, v4, vm0, $0xb8;
	[tilespmem:$0x10880] =	vst v63  }
0x60: {  	v3 =	vadd.s32 v1, v3  }
0x61: {  	[tilespmem:s17], [sflag:$0x1] =	stream.indirect_vreg.gather [hbm4b:s4+s3], $0x80, v4, vm0, $0xb8;
	[tilespmem:$0x10880] =	vst v63  }
0x62: {  	_ = 	snop  }
0x63: {  	[tilespmem:s18], [sflag:$0x1] =	stream.indirect_vreg.gather [hbm4b:s5+s3], $0x80, v4, vm0, $0xb8;
	[tilespmem:$0x10880] =	vst v63  }
0x64: {  	_ = 	snop  }
0x65: {  	[tilespmem:s19], [sflag:$0x1] =	stream.indirect_vreg.gather [hbm4b:s2+s3], $0x80, v3, vm0, $0xb8;
	[tilespmem:$0x10880] =	vst v63  }
0x66: {  	_ = 	snop  }
0x67: {  	[tilespmem:s20], [sflag:$0x1] =	stream.indirect_vreg.gather [hbm4b:s4+s3], $0x80, v3, vm0, $0xb8;
	[tilespmem:$0x10880] =	vst v63  }
0x68: {  	_ = 	snop  }
0x69: {  	[tilespmem:s21], [sflag:$0x1] =	stream.indirect_vreg.gather [hbm4b:s5+s3], $0x80, v3, vm0, $0xb8;
	[tilespmem:$0x10880] =	vst v63  }
0x6a: {  	v3 =	vld [tilespmem:$0x40];
	_ =	sdelay $0x4  }
0x6b: {  	v62 =	vshrl.u32 v3, $0x3  }
0x6c: {  	v4 =	vmul.u32 $0x30, v62  }
0x6d: {  	v3 =	vand.u32 $0x7, v3  }
0x6e: {  	v3 =	vor.u32 v3, v4  }
0x6f: {  	v4 =	vperm.xlane v3, v0;
	_ =	sdelay $0x1  }
0x70: {  	v4 =	vadd.s32 v1, v4;
	_ =	sdelay $0x3  }
0x71: {  	v3 =	vperm.xlane v3, v2  }
0x72: {  	[tilespmem:s22], [sflag:$0x1] =	stream.indirect_vreg.gather [hbm4b:s2+s3], $0x80, v4, vm0, $0xb8;
	[tilespmem:$0x10880] =	vst v63  }
0x73: {  	v3 =	vadd.s32 v1, v3  }
0x74: {  	[tilespmem:s23], [sflag:$0x1] =	stream.indirect_vreg.gather [hbm4b:s4+s3], $0x80, v4, vm0, $0xb8;
	[tilespmem:$0x10880] =	vst v63  }
0x75: {  	_ = 	snop  }
0x76: {  	[tilespmem:s24], [sflag:$0x1] =	stream.indirect_vreg.gather [hbm4b:s5+s3], $0x80, v4, vm0, $0xb8;
	[tilespmem:$0x10880] =	vst v63  }
0x77: {  	_ = 	snop  }
0x78: {  	[tilespmem:s25], [sflag:$0x1] =	stream.indirect_vreg.gather [hbm4b:s2+s3], $0x80, v3, vm0, $0xb8;
	[tilespmem:$0x10880] =	vst v63  }
0x79: {  	_ = 	snop  }
0x7a: {  	[tilespmem:s26], [sflag:$0x1] =	stream.indirect_vreg.gather [hbm4b:s4+s3], $0x80, v3, vm0, $0xb8;
	[tilespmem:$0x10880] =	vst v63  }
0x7b: {  	_ = 	snop  }
0x7c: {  	[tilespmem:s28], [sflag:$0x1] =	stream.indirect_vreg.gather [hbm4b:s5+s3], $0x80, v3, vm0, $0xb8;
	[tilespmem:$0x10880] =	vst v63  }
0x7d: {  	v3 =	vld.msk [tilespmem:$0x50], $0xff;
	_ =	sdelay $0x4  }
0x7e: {  	v63 =	vshrl.u32 v3, $0x3  }
0x7f: {  	v4 =	vmul.u32 $0x30, v63  }
0x80: {  	v3 =	vand.u32 $0x7, v3  }
0x81: {  	v3 =	vor.u32 v3, v4  }
0x82: {  	v3 =	vperm.xlane v3, v0;
	_ =	sdelay $0x1  }
0x83: {  	v3 =	vadd.s32 v1, v3;
	_ =	sdelay $0x4  }
0x84: {  	[tilespmem:s29], [sflag:$0x1] =	stream.indirect_vreg.gather [hbm4b:s2+s3], $0x80, v3, vm0, $0xb8;
	[tilespmem:$0x10880] =	vst v63  }
0x85: {  	_ = 	snop  }
0x86: {  	[tilespmem:s30], [sflag:$0x1] =	stream.indirect_vreg.gather [hbm4b:s4+s3], $0x80, v3, vm0, $0xb8;
	[tilespmem:$0x10880] =	vst v63  }
0x87: {  	_ = 	snop  }
0x88: {  	[tilespmem:s31], [sflag:$0x1] =	stream.indirect_vreg.gather [hbm4b:s5+s3], $0x80, v3, vm0, $0xb8;
	[tilespmem:$0x10880] =	vst v63  }
0x89: {  	_ =	swait.ge [sflag:s1], $0x10800  }
0x8a: {  	p0 =	sne.s32 s6, $0x1;
	[sflag:s1] =	ssyncset.done $0x0  }
.Ltmp0:
0x8b: {  	s9 =	rddreg [dreg:$0x5];
	[sflag:s1] =	ssyncadd.s32 $0xFFFEF800;
	(pc) =	sbr.rel @p0 .LBB2_1-.Ltmp0, $4  }
0x8c: {  	[hbm4b:s9+s3] =	stream.linear.scatter [tilespmem:s8], [sflag:$0x2], $0x10800, $0x38;
	[tilespmem:$0x10880] =	vst v63  }
0x8d: {  	_ =	swait.ge [sflag:s7], $0x10800  }
0x8e: {  	[sflag:s7] =	ssyncset.done $0x0  }
0x8f: {  	s6 =	sadd.s32 $0xFFFFFFFF, s6;
	[sflag:s7] =	ssyncadd.s32 $0xFFFEF800  }
0x90: {  	_ =	sfence.sel $0x180000  }
0x91: {  	[bflag:$0x0] =	sbarrier.arrive $0xFFFF  }
0x92: {  	_ =	strace $0x9000004A  }
0x93: {  	s0 =	stileid.u32;
	[bflag:$0x2] =	sbarrier.arrive $0xFFFF  }
0x94: {  	p0 =	sne.s32 s0, $0x0;
	s0 =	rddreg [dreg:$0x3]  }
0x95: {  	s0 =	sadd.s32 @!p0 $0x100000, s0  }
0x96: {  	[sflag:s0] =	ssyncadd.tile.s32 @!p0 $0x1;
	_ =	shalt  }
.Lfunc_end2:
_tile_overlayer_lowered:
.L_overlay_start_2:
0x97: {  	(tag) =	ssettag $0x2  }
0x98: {  	s0 =	rddreg [dreg:$0x0];
	s2 =	stileid.u32  }
0x99: {  	s1 =	rddreg [dreg:$0x1];
	p0 =	sne.s32 s2, $0x0  }
0x9a: {  	s3 =	rddreg [dreg:$0x2];
	[bflag:$0x3] =	sbarrier.arrive $0xFFFF;
	s2 =	simm.s32 @!p0 $0x1C02  }
0x9b: {  	[timem:s3], [sflag:s2] =	dma.local @!p0 [hbm:s0], s1  }
0x9c: {  	s0 =	simm.s32 @!p0 $0x2  }
0x9d: {  	_ =	swait.ge @!p0 [sflag:s0], s1  }
0x9e: {  	s1 =	ssub.s32 @!p0 $0x0, s1;
	[sflag:s0] =	ssyncset.done @!p0 $0x0  }
0x9f: {  	[sflag:s0] =	ssyncadd.s32 @!p0 s1  }
0xa0: {  	[bflag:$0x3] =	sbarrier.arrive $0xFFFF  }
0xa1: {  	_ =	shalt  }

</sc_bundles>
